<compile_context>
chip_gen: v7x
topology: tpu7x:2x2x1
jax: 0.10.2.dev20260603
libtpu: 0.0.44.dev20260713+nightly
codegen_flags: <defaults>
</compile_context>

<pallas_src>
import functools

import jax
import jax.numpy as jnp
from jax import lax
from jax.experimental import pallas as pl
from jax.experimental.pallas import tpu as pltpu
from jax.experimental.pallas import tpu_sc as plsc

N = 10000
E = 320000
D = 128
DE = 16
H = 128
OUT = 4
EPS = 1e-5

L = 16
NC = 2
NS = 16
NW = NC * NS
EPW = E // NW
CB = 80
NCHUNK = EPW // CB
RPT = 632
NP = RPT * NS

BN = 2000
BE = 4000



def _node_proj_body(h_ref, w_ref, b_ref, a_ref, b_out_ref):
    h = h_ref[...]
    a_ref[...] = jnp.dot(h, w_ref[0:D, :], preferred_element_type=jnp.float32) + b_ref[...]
    b_out_ref[...] = jnp.dot(h, w_ref[D:2 * D, :], preferred_element_type=jnp.float32)


def _node_proj(h, W, b):
    return pl.pallas_call(
        _node_proj_body,
        grid=(N // BN,),
        in_specs=[
            pl.BlockSpec((BN, D), lambda i: (i, 0)),
            pl.BlockSpec((2 * D + DE, H), lambda i: (0, 0)),
            pl.BlockSpec((1, H), lambda i: (0, 0)),
        ],
        out_specs=[
            pl.BlockSpec((BN, H), lambda i: (i, 0)),
            pl.BlockSpec((BN, H), lambda i: (i, 0)),
        ],
        out_shape=[jax.ShapeDtypeStruct((N, H), jnp.float32)] * 2,
    )(h, W, b.reshape(1, H))


def _edge_proj_body(ea_ref, w_ref, o_ref):
    o_ref[...] = jnp.dot(ea_ref[...], w_ref[...], preferred_element_type=jnp.float32)


def _edge_proj(ea, We):
    return pl.pallas_call(
        _edge_proj_body,
        grid=(E // BE,),
        in_specs=[
            pl.BlockSpec((BE, DE), lambda i: (i, 0)),
            pl.BlockSpec((DE, H), lambda i: (0, 0)),
        ],
        out_specs=pl.BlockSpec((BE, H), lambda i: (i, 0)),
        out_shape=jax.ShapeDtypeStruct((E, H), jnp.float32),
    )(ea, We)


def _mean_bn_relu(sp_ref, cnt_ref, wb_ref, bb_ref, g_ref, be_ref):
    S = sp_ref[0, 0:N, :] + sp_ref[1, 0:N, :]
    cnt = cnt_ref[0, 0:N, 0:1] + cnt_ref[1, 0:N, 0:1]
    m = jnp.dot(S, wb_ref[...], preferred_element_type=jnp.float32)
    m = (m + cnt * bb_ref[...]) / jnp.maximum(cnt, 1.0)
    mu = jnp.mean(m, axis=0, keepdims=True)
    var = jnp.mean((m - mu) ** 2, axis=0, keepdims=True)
    return jnp.maximum((m - mu) * lax.rsqrt(var + EPS) * g_ref[...] + be_ref[...], 0.0)


def _post_body(sp_ref, cnt_ref, wb_ref, bb_ref, g_ref, be_ref, h_ref):
    h_ref[...] = _mean_bn_relu(sp_ref, cnt_ref, wb_ref, bb_ref, g_ref, be_ref)


def _post(Sp, cnt, Wb, bb, g, be):
    return pl.pallas_call(
        _post_body,
        out_shape=jax.ShapeDtypeStruct((N, H), jnp.float32),
    )(Sp, cnt, Wb, bb.reshape(1, H), g.reshape(1, H), be.reshape(1, H))


def _post_final_body(sp_ref, cnt_ref, wb_ref, bb_ref, g_ref, be_ref,
                     wo_ref, bo_ref, o_ref):
    h = _mean_bn_relu(sp_ref, cnt_ref, wb_ref, bb_ref, g_ref, be_ref)
    o_ref[...] = jnp.dot(h, wo_ref[...], preferred_element_type=jnp.float32) + bo_ref[...]


def _post_final(Sp, cnt, Wb, bb, g, be, Wo, bo):
    return pl.pallas_call(
        _post_final_body,
        out_shape=jax.ShapeDtypeStruct((N, OUT), jnp.float32),
    )(Sp, cnt, Wb, bb.reshape(1, H), g.reshape(1, H), be.reshape(1, H),
      Wo, bo.reshape(1, OUT))



def _sc_edge_body(a_hbm, b_hbm, ep_hbm, dst_hbm, src_hbm, z_hbm, out_hbm,
                  dsti, srci, arows, brows, eprov, msg, S, sema, semb):
    cid = lax.axis_index("c")
    sid = lax.axis_index("s")
    wid = sid * NC + cid
    base = wid * EPW

    pltpu.sync_copy(z_hbm.at[pl.ds(sid * RPT, RPT)], S.at[pl.ds(sid * RPT, RPT)])
    plsc.subcore_barrier()

    def chunk(i, c):
        off = base + i * CB
        pltpu.sync_copy(dst_hbm.at[pl.ds(off, CB)], dsti)
        pltpu.sync_copy(src_hbm.at[pl.ds(off, CB)], srci)
        ga = pltpu.async_copy(a_hbm.at[dsti], arows, sema)
        gb = pltpu.async_copy(b_hbm.at[srci], brows, semb)
        pltpu.sync_copy(ep_hbm.at[pl.ds(off, CB)], eprov)
        ga.wait()
        gb.wait()

        def row(r, cc):
            for k in range(H // L):
                s = k * L
                v = arows[r, pl.ds(s, L)] + brows[r, pl.ds(s, L)] + eprov[r, pl.ds(s, L)]
                msg[r, pl.ds(s, L)] = jnp.maximum(v, 0.0)
            return cc

        lax.fori_loop(0, CB, row, 0)
        pltpu.sync_copy(msg, S.at[dsti], add=True)
        return c

    lax.fori_loop(0, NCHUNK, chunk, 0)
    plsc.subcore_barrier()

    pltpu.sync_copy(S.at[pl.ds(sid * RPT, RPT)],
                    out_hbm.at[cid, pl.ds(sid * RPT, RPT)])


_sc_edge = functools.partial(
    pl.kernel,
    mesh=plsc.VectorSubcoreMesh(core_axis_name="c", subcore_axis_name="s",
                                num_cores=NC, num_subcores=NS),
    out_type=jax.ShapeDtypeStruct((NC, NP, H), jnp.float32),
    scratch_types=[
        pltpu.VMEM((CB,), jnp.int32),
        pltpu.VMEM((CB,), jnp.int32),
        pltpu.VMEM((CB, H), jnp.float32),
        pltpu.VMEM((CB, H), jnp.float32),
        pltpu.VMEM((CB, H), jnp.float32),
        pltpu.VMEM((CB, H), jnp.float32),
        pltpu.VMEM_SHARED((NP, H), jnp.float32),
        pltpu.SemaphoreType.DMA,
        pltpu.SemaphoreType.DMA,
    ],
)(_sc_edge_body)


def _sc_edge_cnt_body(a_hbm, b_hbm, ep_hbm, dst_hbm, src_hbm, z_hbm, ones_hbm,
                      out_hbm, cnt_hbm,
                      dsti, srci, arows, brows, eprov, msg, S, sema, semb):
    cid = lax.axis_index("c")
    sid = lax.axis_index("s")
    wid = sid * NC + cid
    base = wid * EPW

    pltpu.sync_copy(z_hbm.at[pl.ds(sid * RPT, RPT)], S.at[pl.ds(sid * RPT, RPT)])
    pltpu.sync_copy(ones_hbm, msg)
    plsc.subcore_barrier()

    def cchunk(i, c):
        off = base + i * CB
        pltpu.sync_copy(dst_hbm.at[pl.ds(off, CB)], dsti)
        pltpu.sync_copy(msg, S.at[dsti], add=True)
        return c

    lax.fori_loop(0, NCHUNK, cchunk, 0)
    plsc.subcore_barrier()
    pltpu.sync_copy(S.at[pl.ds(sid * RPT, RPT)],
                    cnt_hbm.at[cid, pl.ds(sid * RPT, RPT)])
    plsc.subcore_barrier()

    pltpu.sync_copy(z_hbm.at[pl.ds(sid * RPT, RPT)], S.at[pl.ds(sid * RPT, RPT)])
    plsc.subcore_barrier()

    def chunk(i, c):
        off = base + i * CB
        pltpu.sync_copy(dst_hbm.at[pl.ds(off, CB)], dsti)
        pltpu.sync_copy(src_hbm.at[pl.ds(off, CB)], srci)
        ga = pltpu.async_copy(a_hbm.at[dsti], arows, sema)
        gb = pltpu.async_copy(b_hbm.at[srci], brows, semb)
        pltpu.sync_copy(ep_hbm.at[pl.ds(off, CB)], eprov)
        ga.wait()
        gb.wait()

        def row(r, cc):
            for k in range(H // L):
                s = k * L
                v = arows[r, pl.ds(s, L)] + brows[r, pl.ds(s, L)] + eprov[r, pl.ds(s, L)]
                msg[r, pl.ds(s, L)] = jnp.maximum(v, 0.0)
            return cc

        lax.fori_loop(0, CB, row, 0)
        pltpu.sync_copy(msg, S.at[dsti], add=True)
        return c

    lax.fori_loop(0, NCHUNK, chunk, 0)
    plsc.subcore_barrier()

    pltpu.sync_copy(S.at[pl.ds(sid * RPT, RPT)],
                    out_hbm.at[cid, pl.ds(sid * RPT, RPT)])


_sc_edge_cnt = functools.partial(
    pl.kernel,
    mesh=plsc.VectorSubcoreMesh(core_axis_name="c", subcore_axis_name="s",
                                num_cores=NC, num_subcores=NS),
    out_type=(jax.ShapeDtypeStruct((NC, NP, H), jnp.float32),
              jax.ShapeDtypeStruct((NC, NP, H), jnp.float32)),
    scratch_types=[
        pltpu.VMEM((CB,), jnp.int32),
        pltpu.VMEM((CB,), jnp.int32),
        pltpu.VMEM((CB, H), jnp.float32),
        pltpu.VMEM((CB, H), jnp.float32),
        pltpu.VMEM((CB, H), jnp.float32),
        pltpu.VMEM((CB, H), jnp.float32),
        pltpu.VMEM_SHARED((NP, H), jnp.float32),
        pltpu.SemaphoreType.DMA,
        pltpu.SemaphoreType.DMA,
    ],
)(_sc_edge_cnt_body)



def kernel(x, edge_index, edge_attr, W1a, b1a, W1b, b1b, g1, be1,
           W2a, b2a, W2b, b2b, g2, be2, Wo, bo):
    src = edge_index[0]
    dst = edge_index[1]
    z = jnp.zeros((NP, H), jnp.float32)
    ones = jnp.ones((CB, H), jnp.float32)

    A1, B1 = _node_proj(x, W1a, b1a)
    Ep1 = _edge_proj(edge_attr, W1a[2 * D:])
    Sp1, cnt = _sc_edge_cnt(A1, B1, Ep1, dst, src, z, ones)
    h1 = _post(Sp1, cnt, W1b, b1b, g1, be1)

    A2, B2 = _node_proj(h1, W2a, b2a)
    Ep2 = _edge_proj(edge_attr, W2a[2 * H:])
    Sp2 = _sc_edge(A2, B2, Ep2, dst, src, z)
    return _post_final(Sp2, cnt, W2b, b2b, g2, be2, Wo, bo)

# --- scband reference (transcript-rebuilt; emitter-appended) ---
"""Pipeline reference for scband-gnnstate-estimator-39668317946048 (READ-ONLY COPY).

The authoritative reference and input builder live on the scoring server;
editing this copy changes nothing except your own understanding.
"""

import jax, jax.numpy as jnp
import numpy as np

N = 10000
E = 320000
D = 128
DE = 16
H = 128
OUT = 4
EPS = 1e-5


def _linear_init(key, fan_in, fan_out):
    return jax.random.normal(key, (fan_in, fan_out), dtype=jnp.float32) / np.sqrt(fan_in)


def setup_inputs(seed: int = 0) -> dict:
    key = jax.random.key(seed)
    ks = jax.random.split(key, 12)
    x = jax.random.normal(ks[0], (N, D), dtype=jnp.float32)
    edge_index = jax.random.randint(ks[1], (2, E), 0, N, dtype=jnp.int32)
    edge_attr = jax.random.normal(ks[2], (E, DE), dtype=jnp.float32)
    # conv1 MLP: Linear(2*D+DE -> H), ReLU, Linear(H -> H)
    W1a = _linear_init(ks[3], 2 * D + DE, H)
    b1a = jnp.zeros((H,), dtype=jnp.float32)
    W1b = _linear_init(ks[4], H, H)
    b1b = jnp.zeros((H,), dtype=jnp.float32)
    g1 = jnp.ones((H,), dtype=jnp.float32)
    be1 = jnp.zeros((H,), dtype=jnp.float32)
    # conv2 MLP: Linear(2*H+DE -> H), ReLU, Linear(H -> H)
    W2a = _linear_init(ks[5], 2 * H + DE, H)
    b2a = jnp.zeros((H,), dtype=jnp.float32)
    W2b = _linear_init(ks[6], H, H)
    b2b = jnp.zeros((H,), dtype=jnp.float32)
    g2 = jnp.ones((H,), dtype=jnp.float32)
    be2 = jnp.zeros((H,), dtype=jnp.float32)
    Wo = _linear_init(ks[7], H, OUT)
    bo = jnp.zeros((OUT,), dtype=jnp.float32)
    return {"x": x, "edge_index": edge_index, "edge_attr": edge_attr,
            "W1a": W1a, "b1a": b1a, "W1b": W1b, "b1b": b1b, "g1": g1, "be1": be1,
            "W2a": W2a, "b2a": b2a, "W2b": W2b, "b2b": b2b, "g2": g2, "be2": be2,
            "Wo": Wo, "bo": bo}


def _gnn_layer(x, edge_index, edge_attr, Wa, ba, Wb, bb):
    src = edge_index[0]  # x_j
    dst = edge_index[1]  # x_i (messages aggregated at dst)
    x_i = jnp.take(x, dst, axis=0)
    x_j = jnp.take(x, src, axis=0)
    tmp = jnp.concatenate([x_i, x_j, edge_attr], axis=1)
    msg = jnp.maximum(tmp @ Wa + ba, 0.0) @ Wb + bb
    summed = jax.ops.segment_sum(msg, dst, num_segments=N)
    cnt = jax.ops.segment_sum(jnp.ones((msg.shape[0], 1), dtype=msg.dtype), dst, num_segments=N)
    return summed / jnp.maximum(cnt, 1.0)


def _batch_norm(x, gamma, beta):
    mean = jnp.mean(x, axis=0, keepdims=True)
    var = jnp.var(x, axis=0, keepdims=True)
    return (x - mean) / jnp.sqrt(var + EPS) * gamma + beta


def reference(x, edge_index, edge_attr, W1a, b1a, W1b, b1b, g1, be1,
              W2a, b2a, W2b, b2b, g2, be2, Wo, bo):
    h = _gnn_layer(x, edge_index, edge_attr, W1a, b1a, W1b, b1b)
    h = jnp.maximum(_batch_norm(h, g1, be1), 0.0)
    h = _gnn_layer(h, edge_index, edge_attr, W2a, b2a, W2b, b2b)
    h = jnp.maximum(_batch_norm(h, g2, be2), 0.0)
    out = h @ Wo + bo
    return out

if __name__ == "__main__":
    import jax
    _d = setup_inputs()
    print(jax.jit(kernel)(*tuple(_d.values())))

</pallas_src>

<mosaic_0001>
#map = affine_map<(d0, d1) -> (0, 0)>
#map1 = affine_map<(d0, d1) -> (0)>
#map2 = affine_map<(d0, d1) -> (0, 0, 0)>
module attributes {stable_mosaic.version = 14 : i64} {
  func.func @_sc_edge_body(%arg0: i32, %arg1: i32, %arg2: memref<10000x128xf32, #tpu.memory_space<hbm>>, %arg3: memref<10000x128xf32, #tpu.memory_space<hbm>>, %arg4: memref<320000x128xf32, #tpu.memory_space<hbm>>, %arg5: memref<320000xi32, #tpu.memory_space<hbm>>, %arg6: memref<320000xi32, #tpu.memory_space<hbm>>, %arg7: memref<10112x128xf32, #tpu.memory_space<hbm>>, %arg8: memref<2x10112x128xf32, #tpu.memory_space<hbm>>, %arg9: memref<80xi32, #tpu.memory_space<vmem>>, %arg10: memref<80xi32, #tpu.memory_space<vmem>>, %arg11: memref<80x128xf32, #tpu.memory_space<vmem>>, %arg12: memref<80x128xf32, #tpu.memory_space<vmem>>, %arg13: memref<80x128xf32, #tpu.memory_space<vmem>>, %arg14: memref<80x128xf32, #tpu.memory_space<vmem>>, %arg15: memref<10112x128xf32, #tpu.memory_space<vmem_shared>>, %arg16: memref<!tpu.dma_semaphore, #tpu.memory_space<semaphore_mem>>, %arg17: memref<!tpu.dma_semaphore, #tpu.memory_space<semaphore_mem>>) attributes {dimension_semantics = [#tpu.dimension_semantics<core_parallel>, #tpu.dimension_semantics<subcore_parallel>], iteration_bounds = array<i64: 2, 16>, scalar_prefetch = 0 : i64, scratch_operands = 9 : i64, tpu.core_type = #tpu.core_type<sc_vector_subcore>, window_params = [{transform_indices = #map}, {transform_indices = #map}, {transform_indices = #map}, {transform_indices = #map1}, {transform_indices = #map1}, {transform_indices = #map}, {transform_indices = #map2}]} {
    %mul3A = arith.constant 2 : i32
    %mul3A_0 = arith.muli %arg1, %mul3A : i32
    %add3A = arith.addi %mul3A_0, %arg0 : i32
    %mul3A_1 = arith.constant 10000 : i32
    %mul3A_2 = arith.muli %add3A, %mul3A_1 : i32
    %mul3A_3 = arith.constant 632 : i32
    %mul3A_4 = arith.muli %arg1, %mul3A_3 : i32
    %mul3A_5 = arith.constant 632 : i32
    %mul3A_6 = arith.muli %arg1, %mul3A_5 : i32
    "tpu.region"() ({
      %run_scoped3A = tpu.sem_alloc : memref<!tpu.dma_semaphore, #tpu.memory_space<semaphore_mem>>
      %dma_start3A = arith.constant 0 : i32
      %dma_start3A_17 = tpu.memref_slice %arg15[%mul3A_6, %dma_start3A] : memref<10112x128xf32, #tpu.memory_space<vmem_shared>> -> memref<632x128xf32, #tpu.memory_space<vmem_shared>>
      %dma_start3A_18 = arith.constant 0 : i32
      %dma_start3A_19 = tpu.memref_slice %arg7[%mul3A_4, %dma_start3A_18] : memref<10112x128xf32, #tpu.memory_space<hbm>> -> memref<632x128xf32, #tpu.memory_space<hbm>>
      tpu.enqueue_dma source(%dma_start3A_19 : memref<632x128xf32, #tpu.memory_space<hbm>>) target(%dma_start3A_17 : memref<632x128xf32, #tpu.memory_space<vmem_shared>>) target_semaphore(%run_scoped3A : memref<!tpu.dma_semaphore, #tpu.memory_space<semaphore_mem>>)
      %dma_wait3A = arith.constant 0 : i32
      %dma_wait3A_20 = tpu.memref_slice %arg15[%mul3A_6, %dma_wait3A] : memref<10112x128xf32, #tpu.memory_space<vmem_shared>> -> memref<632x128xf32, #tpu.memory_space<vmem_shared>>
      %dma_wait3A_21 = arith.constant 0 : i32
      %dma_wait3A_22 = tpu.memref_slice %arg7[%mul3A_4, %dma_wait3A_21] : memref<10112x128xf32, #tpu.memory_space<hbm>> -> memref<632x128xf32, #tpu.memory_space<hbm>>
      tpu.wait_dma2 semaphore(%run_scoped3A : memref<!tpu.dma_semaphore, #tpu.memory_space<semaphore_mem>>) src(%dma_wait3A_22 : memref<632x128xf32, #tpu.memory_space<hbm>>) dst(%dma_wait3A_20 : memref<632x128xf32, #tpu.memory_space<vmem_shared>>)
      tpu.yield
    }) : () -> ()
    %barrier3A = arith.constant 0 : index
    tpu.barrier barrier_id(%barrier3A)
    %scan3A = arith.constant 0 : i32
    %scan3A_7 = arith.constant 0 : i32
    %scan3A_8 = arith.constant 125 : i32
    %scan3A_9 = arith.addi %scan3A_7, %scan3A_8 : i32
    %scan3A_10 = arith.constant 1 : i32
    scf.for %scan3A_17 = %scan3A_7 to %scan3A_9 step %scan3A_10  : i32 {
      %mul3A_18 = arith.constant 80 : i32
      %mul3A_19 = arith.muli %scan3A_17, %mul3A_18 : i32
      %add3A_20 = arith.addi %mul3A_2, %mul3A_19 : i32
      "tpu.region"() ({
        %run_scoped3A = tpu.sem_alloc : memref<!tpu.dma_semaphore, #tpu.memory_space<semaphore_mem>>
        %dma_start3A_37 = tpu.memref_slice %arg5[%add3A_20] : memref<320000xi32, #tpu.memory_space<hbm>> -> memref<80xi32, #tpu.memory_space<hbm>>
        %dma_start3A_38 = tpu.memref_slice %arg5[%add3A_20] : memref<320000xi32, #tpu.memory_space<hbm>> -> memref<80xi32, #tpu.memory_space<hbm>>
        tpu.enqueue_dma source(%dma_start3A_38 : memref<80xi32, #tpu.memory_space<hbm>>) target(%arg9 : memref<80xi32, #tpu.memory_space<vmem>>) target_semaphore(%run_scoped3A : memref<!tpu.dma_semaphore, #tpu.memory_space<semaphore_mem>>)
        %dma_wait3A_39 = tpu.memref_slice %arg5[%add3A_20] : memref<320000xi32, #tpu.memory_space<hbm>> -> memref<80xi32, #tpu.memory_space<hbm>>
        %dma_wait3A_40 = tpu.memref_slice %arg5[%add3A_20] : memref<320000xi32, #tpu.memory_space<hbm>> -> memref<80xi32, #tpu.memory_space<hbm>>
        tpu.wait_dma2 semaphore(%run_scoped3A : memref<!tpu.dma_semaphore, #tpu.memory_space<semaphore_mem>>) src(%dma_wait3A_40 : memref<80xi32, #tpu.memory_space<hbm>>) dst(%arg9 : memref<80xi32, #tpu.memory_space<vmem>>)
        tpu.yield
      }) : () -> ()
      "tpu.region"() ({
        %run_scoped3A = tpu.sem_alloc : memref<!tpu.dma_semaphore, #tpu.memory_space<semaphore_mem>>
        %dma_start3A_37 = tpu.memref_slice %arg6[%add3A_20] : memref<320000xi32, #tpu.memory_space<hbm>> -> memref<80xi32, #tpu.memory_space<hbm>>
        %dma_start3A_38 = tpu.memref_slice %arg6[%add3A_20] : memref<320000xi32, #tpu.memory_space<hbm>> -> memref<80xi32, #tpu.memory_space<hbm>>
        tpu.enqueue_dma source(%dma_start3A_38 : memref<80xi32, #tpu.memory_space<hbm>>) target(%arg10 : memref<80xi32, #tpu.memory_space<vmem>>) target_semaphore(%run_scoped3A : memref<!tpu.dma_semaphore, #tpu.memory_space<semaphore_mem>>)
        %dma_wait3A_39 = tpu.memref_slice %arg6[%add3A_20] : memref<320000xi32, #tpu.memory_space<hbm>> -> memref<80xi32, #tpu.memory_space<hbm>>
        %dma_wait3A_40 = tpu.memref_slice %arg6[%add3A_20] : memref<320000xi32, #tpu.memory_space<hbm>> -> memref<80xi32, #tpu.memory_space<hbm>>
        tpu.wait_dma2 semaphore(%run_scoped3A : memref<!tpu.dma_semaphore, #tpu.memory_space<semaphore_mem>>) src(%dma_wait3A_40 : memref<80xi32, #tpu.memory_space<hbm>>) dst(%arg10 : memref<80xi32, #tpu.memory_space<vmem>>)
        tpu.yield
      }) : () -> ()
      %dma_start3A = arith.constant 0 : i32
      %dma_start3A_21 = arith.constant 0 : i32
      %dma_start3A_22 = tpu.memref_slice %arg2[%dma_start3A, %dma_start3A_21] : memref<10000x128xf32, #tpu.memory_space<hbm>> -> memref<10000x128xf32, #tpu.memory_space<hbm>>
      tpu.enqueue_indirect_dma source(%dma_start3A_22 : memref<10000x128xf32, #tpu.memory_space<hbm>>) target(%arg11 : memref<80x128xf32, #tpu.memory_space<vmem>>) offsets(%arg9 : memref<80xi32, #tpu.memory_space<vmem>>) semaphore(%arg16 : memref<!tpu.dma_semaphore, #tpu.memory_space<semaphore_mem>>)
      %dma_start3A_23 = arith.constant 0 : i32
      %dma_start3A_24 = arith.constant 0 : i32
      %dma_start3A_25 = tpu.memref_slice %arg3[%dma_start3A_23, %dma_start3A_24] : memref<10000x128xf32, #tpu.memory_space<hbm>> -> memref<10000x128xf32, #tpu.memory_space<hbm>>
      tpu.enqueue_indirect_dma source(%dma_start3A_25 : memref<10000x128xf32, #tpu.memory_space<hbm>>) target(%arg12 : memref<80x128xf32, #tpu.memory_space<vmem>>) offsets(%arg10 : memref<80xi32, #tpu.memory_space<vmem>>) semaphore(%arg17 : memref<!tpu.dma_semaphore, #tpu.memory_space<semaphore_mem>>)
      "tpu.region"() ({
        %run_scoped3A = tpu.sem_alloc : memref<!tpu.dma_semaphore, #tpu.memory_space<semaphore_mem>>
        %dma_start3A_37 = arith.constant 0 : i32
        %dma_start3A_38 = tpu.memref_slice %arg4[%add3A_20, %dma_start3A_37] : memref<320000x128xf32, #tpu.memory_space<hbm>> -> memref<80x128xf32, #tpu.memory_space<hbm>>
        %dma_start3A_39 = arith.constant 0 : i32
        %dma_start3A_40 = tpu.memref_slice %arg4[%add3A_20, %dma_start3A_39] : memref<320000x128xf32, #tpu.memory_space<hbm>> -> memref<80x128xf32, #tpu.memory_space<hbm>>
        tpu.enqueue_dma source(%dma_start3A_40 : memref<80x128xf32, #tpu.memory_space<hbm>>) target(%arg13 : memref<80x128xf32, #tpu.memory_space<vmem>>) target_semaphore(%run_scoped3A : memref<!tpu.dma_semaphore, #tpu.memory_space<semaphore_mem>>)
        %dma_wait3A_41 = arith.constant 0 : i32
        %dma_wait3A_42 = tpu.memref_slice %arg4[%add3A_20, %dma_wait3A_41] : memref<320000x128xf32, #tpu.memory_space<hbm>> -> memref<80x128xf32, #tpu.memory_space<hbm>>
        %dma_wait3A_43 = arith.constant 0 : i32
        %dma_wait3A_44 = tpu.memref_slice %arg4[%add3A_20, %dma_wait3A_43] : memref<320000x128xf32, #tpu.memory_space<hbm>> -> memref<80x128xf32, #tpu.memory_space<hbm>>
        tpu.wait_dma2 semaphore(%run_scoped3A : memref<!tpu.dma_semaphore, #tpu.memory_space<semaphore_mem>>) src(%dma_wait3A_44 : memref<80x128xf32, #tpu.memory_space<hbm>>) dst(%arg13 : memref<80x128xf32, #tpu.memory_space<vmem>>)
        tpu.yield
      }) : () -> ()
      %dma_wait3A = arith.constant 0 : i32
      %dma_wait3A_26 = arith.constant 0 : i32
      %dma_wait3A_27 = tpu.memref_slice %arg2[%dma_wait3A, %dma_wait3A_26] : memref<10000x128xf32, #tpu.memory_space<hbm>> -> memref<10000x128xf32, #tpu.memory_space<hbm>>
      tpu.wait_indirect_dma semaphore(%arg16 : memref<!tpu.dma_semaphore, #tpu.memory_space<semaphore_mem>>) src(%dma_wait3A_27 : memref<10000x128xf32, #tpu.memory_space<hbm>>) dst(%arg11 : memref<80x128xf32, #tpu.memory_space<vmem>>)
      %dma_wait3A_28 = arith.constant 0 : i32
      %dma_wait3A_29 = arith.constant 0 : i32
      %dma_wait3A_30 = tpu.memref_slice %arg3[%dma_wait3A_28, %dma_wait3A_29] : memref<10000x128xf32, #tpu.memory_space<hbm>> -> memref<10000x128xf32, #tpu.memory_space<hbm>>
      tpu.wait_indirect_dma semaphore(%arg17 : memref<!tpu.dma_semaphore, #tpu.memory_space<semaphore_mem>>) src(%dma_wait3A_30 : memref<10000x128xf32, #tpu.memory_space<hbm>>) dst(%arg12 : memref<80x128xf32, #tpu.memory_space<vmem>>)
      %scan3A_31 = arith.constant 0 : i32
      %scan3A_32 = arith.constant 0 : i32
      %scan3A_33 = arith.constant 80 : i32
      %scan3A_34 = arith.addi %scan3A_32, %scan3A_33 : i32
      %scan3A_35 = arith.constant 1 : i32
      scf.for %scan3A_37 = %scan3A_32 to %scan3A_34 step %scan3A_35  : i32 {
        %get3A = arith.index_cast %scan3A_37 : i32 to index
        %get3A_38 = arith.constant 0 : index
        %get3A_39 = tpu.vector_load %arg11[%get3A, %get3A_38] {strides = array<i32>} : memref<80x128xf32, #tpu.memory_space<vmem>>, vector<1x16xf32>,
        %get3A_40 = vector.shape_cast %get3A_39 : vector<1x16xf32> to vector<16xf32>
        %get3A_41 = arith.index_cast %scan3A_37 : i32 to index
        %get3A_42 = arith.constant 0 : index
        %get3A_43 = tpu.vector_load %arg12[%get3A_41, %get3A_42] {strides = array<i32>} : memref<80x128xf32, #tpu.memory_space<vmem>>, vector<1x16xf32>,
        %get3A_44 = vector.shape_cast %get3A_43 : vector<1x16xf32> to vector<16xf32>
        %add3A_45 = arith.addf %get3A_40, %get3A_44 : vector<16xf32>
        %get3A_46 = arith.index_cast %scan3A_37 : i32 to index
        %get3A_47 = arith.constant 0 : index
        %get3A_48 = tpu.vector_load %arg13[%get3A_46, %get3A_47] {strides = array<i32>} : memref<80x128xf32, #tpu.memory_space<vmem>>, vector<1x16xf32>,
        %get3A_49 = vector.shape_cast %get3A_48 : vector<1x16xf32> to vector<16xf32>
        %add3A_50 = arith.addf %add3A_45, %get3A_49 : vector<16xf32>
        %max3A = arith.constant 0.000000e+00 : f32
        %max3A_51 = vector.broadcast %max3A : f32 to vector<16xf32>
        %max3A_52 = arith.maximumf %add3A_50, %max3A_51 : vector<16xf32>
        %swap3A = arith.index_cast %scan3A_37 : i32 to index
        %swap3A_53 = arith.constant 0 : index
        %swap3A_54 = tpu.vector_load %arg14[%swap3A, %swap3A_53] {strides = array<i32>} : memref<80x128xf32, #tpu.memory_space<vmem>>, vector<1x16xf32>,
        %swap3A_55 = vector.shape_cast %swap3A_54 : vector<1x16xf32> to vector<16xf32>
        %swap3A_56 = vector.shape_cast %max3A_52 : vector<16xf32> to vector<1x16xf32>
        tpu.vector_store %arg14[%swap3A, %swap3A_53], %swap3A_56 {strides = array<i32>} : memref<80x128xf32, #tpu.memory_space<vmem>>, vector<1x16xf32>,
        %get3A_57 = arith.index_cast %scan3A_37 : i32 to index
        %get3A_58 = arith.constant 16 : index
        %get3A_59 = tpu.vector_load %arg11[%get3A_57, %get3A_58] {strides = array<i32>} : memref<80x128xf32, #tpu.memory_space<vmem>>, vector<1x16xf32>,
        %get3A_60 = vector.shape_cast %get3A_59 : vector<1x16xf32> to vector<16xf32>
        %get3A_61 = arith.index_cast %scan3A_37 : i32 to index
        %get3A_62 = arith.constant 16 : index
        %get3A_63 = tpu.vector_load %arg12[%get3A_61, %get3A_62] {strides = array<i32>} : memref<80x128xf32, #tpu.memory_space<vmem>>, vector<1x16xf32>,
        %get3A_64 = vector.shape_cast %get3A_63 : vector<1x16xf32> to vector<16xf32>
        %add3A_65 = arith.addf %get3A_60, %get3A_64 : vector<16xf32>
        %get3A_66 = arith.index_cast %scan3A_37 : i32 to index
        %get3A_67 = arith.constant 16 : index
        %get3A_68 = tpu.vector_load %arg13[%get3A_66, %get3A_67] {strides = array<i32>} : memref<80x128xf32, #tpu.memory_space<vmem>>, vector<1x16xf32>,
        %get3A_69 = vector.shape_cast %get3A_68 : vector<1x16xf32> to vector<16xf32>
        %add3A_70 = arith.addf %add3A_65, %get3A_69 : vector<16xf32>
        %max3A_71 = arith.constant 0.000000e+00 : f32
        %max3A_72 = vector.broadcast %max3A_71 : f32 to vector<16xf32>
        %max3A_73 = arith.maximumf %add3A_70, %max3A_72 : vector<16xf32>
        %swap3A_74 = arith.index_cast %scan3A_37 : i32 to index
        %swap3A_75 = arith.constant 16 : index
        %swap3A_76 = tpu.vector_load %arg14[%swap3A_74, %swap3A_75] {strides = array<i32>} : memref<80x128xf32, #tpu.memory_space<vmem>>, vector<1x16xf32>,
        %swap3A_77 = vector.shape_cast %swap3A_76 : vector<1x16xf32> to vector<16xf32>
        %swap3A_78 = vector.shape_cast %max3A_73 : vector<16xf32> to vector<1x16xf32>
        tpu.vector_store %arg14[%swap3A_74, %swap3A_75], %swap3A_78 {strides = array<i32>} : memref<80x128xf32, #tpu.memory_space<vmem>>, vector<1x16xf32>,
        %get3A_79 = arith.index_cast %scan3A_37 : i32 to index
        %get3A_80 = arith.constant 32 : index
        %get3A_81 = tpu.vector_load %arg11[%get3A_79, %get3A_80] {strides = array<i32>} : memref<80x128xf32, #tpu.memory_space<vmem>>, vector<1x16xf32>,
        %get3A_82 = vector.shape_cast %get3A_81 : vector<1x16xf32> to vector<16xf32>
        %get3A_83 = arith.index_cast %scan3A_37 : i32 to index
        %get3A_84 = arith.constant 32 : index
        %get3A_85 = tpu.vector_load %arg12[%get3A_83, %get3A_84] {strides = array<i32>} : memref<80x128xf32, #tpu.memory_space<vmem>>, vector<1x16xf32>,
        %get3A_86 = vector.shape_cast %get3A_85 : vector<1x16xf32> to vector<16xf32>
        %add3A_87 = arith.addf %get3A_82, %get3A_86 : vector<16xf32>
        %get3A_88 = arith.index_cast %scan3A_37 : i32 to index
        %get3A_89 = arith.constant 32 : index
        %get3A_90 = tpu.vector_load %arg13[%get3A_88, %get3A_89] {strides = array<i32>} : memref<80x128xf32, #tpu.memory_space<vmem>>, vector<1x16xf32>,
        %get3A_91 = vector.shape_cast %get3A_90 : vector<1x16xf32> to vector<16xf32>
        %add3A_92 = arith.addf %add3A_87, %get3A_91 : vector<16xf32>
        %max3A_93 = arith.constant 0.000000e+00 : f32
        %max3A_94 = vector.broadcast %max3A_93 : f32 to vector<16xf32>
        %max3A_95 = arith.maximumf %add3A_92, %max3A_94 : vector<16xf32>
        %swap3A_96 = arith.index_cast %scan3A_37 : i32 to index
        %swap3A_97 = arith.constant 32 : index
        %swap3A_98 = tpu.vector_load %arg14[%swap3A_96, %swap3A_97] {strides = array<i32>} : memref<80x128xf32, #tpu.memory_space<vmem>>, vector<1x16xf32>,
        %swap3A_99 = vector.shape_cast %swap3A_98 : vector<1x16xf32> to vector<16xf32>
        %swap3A_100 = vector.shape_cast %max3A_95 : vector<16xf32> to vector<1x16xf32>
        tpu.vector_store %arg14[%swap3A_96, %swap3A_97], %swap3A_100 {strides = array<i32>} : memref<80x128xf32, #tpu.memory_space<vmem>>, vector<1x16xf32>,
        %get3A_101 = arith.index_cast %scan3A_37 : i32 to index
        %get3A_102 = arith.constant 48 : index
        %get3A_103 = tpu.vector_load %arg11[%get3A_101, %get3A_102] {strides = array<i32>} : memref<80x128xf32, #tpu.memory_space<vmem>>, vector<1x16xf32>,
        %get3A_104 = vector.shape_cast %get3A_103 : vector<1x16xf32> to vector<16xf32>
        %get3A_105 = arith.index_cast %scan3A_37 : i32 to index
        %get3A_106 = arith.constant 48 : index
        %get3A_107 = tpu.vector_load %arg12[%get3A_105, %get3A_106] {strides = array<i32>} : memref<80x128xf32, #tpu.memory_space<vmem>>, vector<1x16xf32>,
        %get3A_108 = vector.shape_cast %get3A_107 : vector<1x16xf32> to vector<16xf32>
        %add3A_109 = arith.addf %get3A_104, %get3A_108 : vector<16xf32>
        %get3A_110 = arith.index_cast %scan3A_37 : i32 to index
        %get3A_111 = arith.constant 48 : index
        %get3A_112 = tpu.vector_load %arg13[%get3A_110, %get3A_111] {strides = array<i32>} : memref<80x128xf32, #tpu.memory_space<vmem>>, vector<1x16xf32>,
        %get3A_113 = vector.shape_cast %get3A_112 : vector<1x16xf32> to vector<16xf32>
        %add3A_114 = arith.addf %add3A_109, %get3A_113 : vector<16xf32>
        %max3A_115 = arith.constant 0.000000e+00 : f32
        %max3A_116 = vector.broadcast %max3A_115 : f32 to vector<16xf32>
        %max3A_117 = arith.maximumf %add3A_114, %max3A_116 : vector<16xf32>
        %swap3A_118 = arith.index_cast %scan3A_37 : i32 to index
        %swap3A_119 = arith.constant 48 : index
        %swap3A_120 = tpu.vector_load %arg14[%swap3A_118, %swap3A_119] {strides = array<i32>} : memref<80x128xf32, #tpu.memory_space<vmem>>, vector<1x16xf32>,
        %swap3A_121 = vector.shape_cast %swap3A_120 : vector<1x16xf32> to vector<16xf32>
        %swap3A_122 = vector.shape_cast %max3A_117 : vector<16xf32> to vector<1x16xf32>
        tpu.vector_store %arg14[%swap3A_118, %swap3A_119], %swap3A_122 {strides = array<i32>} : memref<80x128xf32, #tpu.memory_space<vmem>>, vector<1x16xf32>,
        %get3A_123 = arith.index_cast %scan3A_37 : i32 to index
        %get3A_124 = arith.constant 64 : index
        %get3A_125 = tpu.vector_load %arg11[%get3A_123, %get3A_124] {strides = array<i32>} : memref<80x128xf32, #tpu.memory_space<vmem>>, vector<1x16xf32>,
        %get3A_126 = vector.shape_cast %get3A_125 : vector<1x16xf32> to vector<16xf32>
        %get3A_127 = arith.index_cast %scan3A_37 : i32 to index
        %get3A_128 = arith.constant 64 : index
        %get3A_129 = tpu.vector_load %arg12[%get3A_127, %get3A_128] {strides = array<i32>} : memref<80x128xf32, #tpu.memory_space<vmem>>, vector<1x16xf32>,
        %get3A_130 = vector.shape_cast %get3A_129 : vector<1x16xf32> to vector<16xf32>
        %add3A_131 = arith.addf %get3A_126, %get3A_130 : vector<16xf32>
        %get3A_132 = arith.index_cast %scan3A_37 : i32 to index
        %get3A_133 = arith.constant 64 : index
        %get3A_134 = tpu.vector_load %arg13[%get3A_132, %get3A_133] {strides = array<i32>} : memref<80x128xf32, #tpu.memory_space<vmem>>, vector<1x16xf32>,
        %get3A_135 = vector.shape_cast %get3A_134 : vector<1x16xf32> to vector<16xf32>
        %add3A_136 = arith.addf %add3A_131, %get3A_135 : vector<16xf32>
        %max3A_137 = arith.constant 0.000000e+00 : f32
        %max3A_138 = vector.broadcast %max3A_137 : f32 to vector<16xf32>
        %max3A_139 = arith.maximumf %add3A_136, %max3A_138 : vector<16xf32>
        %swap3A_140 = arith.index_cast %scan3A_37 : i32 to index
        %swap3A_141 = arith.constant 64 : index
        %swap3A_142 = tpu.vector_load %arg14[%swap3A_140, %swap3A_141] {strides = array<i32>} : memref<80x128xf32, #tpu.memory_space<vmem>>, vector<1x16xf32>,
        %swap3A_143 = vector.shape_cast %swap3A_142 : vector<1x16xf32> to vector<16xf32>
        %swap3A_144 = vector.shape_cast %max3A_139 : vector<16xf32> to vector<1x16xf32>
        tpu.vector_store %arg14[%swap3A_140, %swap3A_141], %swap3A_144 {strides = array<i32>} : memref<80x128xf32, #tpu.memory_space<vmem>>, vector<1x16xf32>,
        %get3A_145 = arith.index_cast %scan3A_37 : i32 to index
        %get3A_146 = arith.constant 80 : index
        %get3A_147 = tpu.vector_load %arg11[%get3A_145, %get3A_146] {strides = array<i32>} : memref<80x128xf32, #tpu.memory_space<vmem>>, vector<1x16xf32>,
        %get3A_148 = vector.shape_cast %get3A_147 : vector<1x16xf32> to vector<16xf32>
        %get3A_149 = arith.index_cast %scan3A_37 : i32 to index
        %get3A_150 = arith.constant 80 : index
        %get3A_151 = tpu.vector_load %arg12[%get3A_149, %get3A_150] {strides = array<i32>} : memref<80x128xf32, #tpu.memory_space<vmem>>, vector<1x16xf32>,
        %get3A_152 = vector.shape_cast %get3A_151 : vector<1x16xf32> to vector<16xf32>
        %add3A_153 = arith.addf %get3A_148, %get3A_152 : vector<16xf32>
        %get3A_154 = arith.index_cast %scan3A_37 : i32 to index
        %get3A_155 = arith.constant 80 : index
        %get3A_156 = tpu.vector_load %arg13[%get3A_154, %get3A_155] {strides = array<i32>} : memref<80x128xf32, #tpu.memory_space<vmem>>, vector<1x16xf32>,
        %get3A_157 = vector.shape_cast %get3A_156 : vector<1x16xf32> to vector<16xf32>
        %add3A_158 = arith.addf %add3A_153, %get3A_157 : vector<16xf32>
        %max3A_159 = arith.constant 0.000000e+00 : f32
        %max3A_160 = vector.broadcast %max3A_159 : f32 to vector<16xf32>
        %max3A_161 = arith.maximumf %add3A_158, %max3A_160 : vector<16xf32>
        %swap3A_162 = arith.index_cast %scan3A_37 : i32 to index
        %swap3A_163 = arith.constant 80 : index
        %swap3A_164 = tpu.vector_load %arg14[%swap3A_162, %swap3A_163] {strides = array<i32>} : memref<80x128xf32, #tpu.memory_space<vmem>>, vector<1x16xf32>,
        %swap3A_165 = vector.shape_cast %swap3A_164 : vector<1x16xf32> to vector<16xf32>
        %swap3A_166 = vector.shape_cast %max3A_161 : vector<16xf32> to vector<1x16xf32>
        tpu.vector_store %arg14[%swap3A_162, %swap3A_163], %swap3A_166 {strides = array<i32>} : memref<80x128xf32, #tpu.memory_space<vmem>>, vector<1x16xf32>,
        %get3A_167 = arith.index_cast %scan3A_37 : i32 to index
        %get3A_168 = arith.constant 96 : index
        %get3A_169 = tpu.vector_load %arg11[%get3A_167, %get3A_168] {strides = array<i32>} : memref<80x128xf32, #tpu.memory_space<vmem>>, vector<1x16xf32>,
        %get3A_170 = vector.shape_cast %get3A_169 : vector<1x16xf32> to vector<16xf32>
        %get3A_171 = arith.index_cast %scan3A_37 : i32 to index
        %get3A_172 = arith.constant 96 : index
        %get3A_173 = tpu.vector_load %arg12[%get3A_171, %get3A_172] {strides = array<i32>} : memref<80x128xf32, #tpu.memory_space<vmem>>, vector<1x16xf32>,
        %get3A_174 = vector.shape_cast %get3A_173 : vector<1x16xf32> to vector<16xf32>
        %add3A_175 = arith.addf %get3A_170, %get3A_174 : vector<16xf32>
        %get3A_176 = arith.index_cast %scan3A_37 : i32 to index
        %get3A_177 = arith.constant 96 : index
        %get3A_178 = tpu.vector_load %arg13[%get3A_176, %get3A_177] {strides = array<i32>} : memref<80x128xf32, #tpu.memory_space<vmem>>, vector<1x16xf32>,
        %get3A_179 = vector.shape_cast %get3A_178 : vector<1x16xf32> to vector<16xf32>
        %add3A_180 = arith.addf %add3A_175, %get3A_179 : vector<16xf32>
        %max3A_181 = arith.constant 0.000000e+00 : f32
        %max3A_182 = vector.broadcast %max3A_181 : f32 to vector<16xf32>
        %max3A_183 = arith.maximumf %add3A_180, %max3A_182 : vector<16xf32>
        %swap3A_184 = arith.index_cast %scan3A_37 : i32 to index
        %swap3A_185 = arith.constant 96 : index
        %swap3A_186 = tpu.vector_load %arg14[%swap3A_184, %swap3A_185] {strides = array<i32>} : memref<80x128xf32, #tpu.memory_space<vmem>>, vector<1x16xf32>,
        %swap3A_187 = vector.shape_cast %swap3A_186 : vector<1x16xf32> to vector<16xf32>
        %swap3A_188 = vector.shape_cast %max3A_183 : vector<16xf32> to vector<1x16xf32>
        tpu.vector_store %arg14[%swap3A_184, %swap3A_185], %swap3A_188 {strides = array<i32>} : memref<80x128xf32, #tpu.memory_space<vmem>>, vector<1x16xf32>,
        %get3A_189 = arith.index_cast %scan3A_37 : i32 to index
        %get3A_190 = arith.constant 112 : index
        %get3A_191 = tpu.vector_load %arg11[%get3A_189, %get3A_190] {strides = array<i32>} : memref<80x128xf32, #tpu.memory_space<vmem>>, vector<1x16xf32>,
        %get3A_192 = vector.shape_cast %get3A_191 : vector<1x16xf32> to vector<16xf32>
        %get3A_193 = arith.index_cast %scan3A_37 : i32 to index
        %get3A_194 = arith.constant 112 : index
        %get3A_195 = tpu.vector_load %arg12[%get3A_193, %get3A_194] {strides = array<i32>} : memref<80x128xf32, #tpu.memory_space<vmem>>, vector<1x16xf32>,
        %get3A_196 = vector.shape_cast %get3A_195 : vector<1x16xf32> to vector<16xf32>
        %add3A_197 = arith.addf %get3A_192, %get3A_196 : vector<16xf32>
        %get3A_198 = arith.index_cast %scan3A_37 : i32 to index
        %get3A_199 = arith.constant 112 : index
        %get3A_200 = tpu.vector_load %arg13[%get3A_198, %get3A_199] {strides = array<i32>} : memref<80x128xf32, #tpu.memory_space<vmem>>, vector<1x16xf32>,
        %get3A_201 = vector.shape_cast %get3A_200 : vector<1x16xf32> to vector<16xf32>
        %add3A_202 = arith.addf %add3A_197, %get3A_201 : vector<16xf32>
        %max3A_203 = arith.constant 0.000000e+00 : f32
        %max3A_204 = vector.broadcast %max3A_203 : f32 to vector<16xf32>
        %max3A_205 = arith.maximumf %add3A_202, %max3A_204 : vector<16xf32>
        %swap3A_206 = arith.index_cast %scan3A_37 : i32 to index
        %swap3A_207 = arith.constant 112 : index
        %swap3A_208 = tpu.vector_load %arg14[%swap3A_206, %swap3A_207] {strides = array<i32>} : memref<80x128xf32, #tpu.memory_space<vmem>>, vector<1x16xf32>,
        %swap3A_209 = vector.shape_cast %swap3A_208 : vector<1x16xf32> to vector<16xf32>
        %swap3A_210 = vector.shape_cast %max3A_205 : vector<16xf32> to vector<1x16xf32>
        tpu.vector_store %arg14[%swap3A_206, %swap3A_207], %swap3A_210 {strides = array<i32>} : memref<80x128xf32, #tpu.memory_space<vmem>>, vector<1x16xf32>,
      }
      %scan3A_36 = arith.constant 80 : i32
      "tpu.region"() ({
        %run_scoped3A = tpu.sem_alloc : memref<!tpu.dma_semaphore, #tpu.memory_space<semaphore_mem>>
        %dma_start3A_37 = arith.constant 0 : i32
        %dma_start3A_38 = arith.constant 0 : i32
        %dma_start3A_39 = tpu.memref_slice %arg15[%dma_start3A_37, %dma_start3A_38] : memref<10112x128xf32, #tpu.memory_space<vmem_shared>> -> memref<10112x128xf32, #tpu.memory_space<vmem_shared>>
        tpu.enqueue_indirect_dma source(%arg14 : memref<80x128xf32, #tpu.memory_space<vmem>>) target(%dma_start3A_39 : memref<10112x128xf32, #tpu.memory_space<vmem_shared>>) offsets(%arg9 : memref<80xi32, #tpu.memory_space<vmem>>) semaphore(%run_scoped3A : memref<!tpu.dma_semaphore, #tpu.memory_space<semaphore_mem>>) {add = true}
        %dma_wait3A_40 = arith.constant 0 : i32
        %dma_wait3A_41 = arith.constant 0 : i32
        %dma_wait3A_42 = tpu.memref_slice %arg15[%dma_wait3A_40, %dma_wait3A_41] : memref<10112x128xf32, #tpu.memory_space<vmem_shared>> -> memref<10112x128xf32, #tpu.memory_space<vmem_shared>>
        tpu.wait_indirect_dma semaphore(%run_scoped3A : memref<!tpu.dma_semaphore, #tpu.memory_space<semaphore_mem>>) src(%arg14 : memref<80x128xf32, #tpu.memory_space<vmem>>) dst(%dma_wait3A_42 : memref<10112x128xf32, #tpu.memory_space<vmem_shared>>)
        tpu.yield
      }) : () -> ()
    }
    %scan3A_11 = arith.constant 125 : i32
    %barrier3A_12 = arith.constant 0 : index
    tpu.barrier barrier_id(%barrier3A_12)
    %mul3A_13 = arith.constant 632 : i32
    %mul3A_14 = arith.muli %arg1, %mul3A_13 : i32
    %mul3A_15 = arith.constant 632 : i32
    %mul3A_16 = arith.muli %arg1, %mul3A_15 : i32
    "tpu.region"() ({
      %run_scoped3A = tpu.sem_alloc : memref<!tpu.dma_semaphore, #tpu.memory_space<semaphore_mem>>
      %dma_start3A = arith.constant 0 : i32
      %dma_start3A_17 = tpu.memref_slice %arg8[%arg0, %mul3A_16, %dma_start3A] : memref<2x10112x128xf32, #tpu.memory_space<hbm>> -> memref<1x632x128xf32, #tpu.memory_space<hbm>>
      %dma_start3A_18 = tpu.memref_squeeze %dma_start3A_17 : memref<1x632x128xf32, #tpu.memory_space<hbm>> -> memref<632x128xf32, #tpu.memory_space<hbm>>
      %dma_start3A_19 = arith.constant 0 : i32
      %dma_start3A_20 = tpu.memref_slice %arg15[%mul3A_14, %dma_start3A_19] : memref<10112x128xf32, #tpu.memory_space<vmem_shared>> -> memref<632x128xf32, #tpu.memory_space<vmem_shared>>
      tpu.enqueue_dma source(%dma_start3A_20 : memref<632x128xf32, #tpu.memory_space<vmem_shared>>) target(%dma_start3A_18 : memref<632x128xf32, #tpu.memory_space<hbm>>) target_semaphore(%run_scoped3A : memref<!tpu.dma_semaphore, #tpu.memory_space<semaphore_mem>>)
      %dma_wait3A = arith.constant 0 : i32
      %dma_wait3A_21 = tpu.memref_slice %arg8[%arg0, %mul3A_16, %dma_wait3A] : memref<2x10112x128xf32, #tpu.memory_space<hbm>> -> memref<1x632x128xf32, #tpu.memory_space<hbm>>
      %dma_wait3A_22 = tpu.memref_squeeze %dma_wait3A_21 : memref<1x632x128xf32, #tpu.memory_space<hbm>> -> memref<632x128xf32, #tpu.memory_space<hbm>>
      %dma_wait3A_23 = arith.constant 0 : i32
      %dma_wait3A_24 = tpu.memref_slice %arg15[%mul3A_14, %dma_wait3A_23] : memref<10112x128xf32, #tpu.memory_space<vmem_shared>> -> memref<632x128xf32, #tpu.memory_space<vmem_shared>>
      tpu.wait_dma2 semaphore(%run_scoped3A : memref<!tpu.dma_semaphore, #tpu.memory_space<semaphore_mem>>) src(%dma_wait3A_24 : memref<632x128xf32, #tpu.memory_space<vmem_shared>>) dst(%dma_wait3A_22 : memref<632x128xf32, #tpu.memory_space<hbm>>)
      tpu.yield
    }) : () -> ()
    return
  }
}

#map = affine_map<(d0, d1) -> (0, 0)>
#map1 = affine_map<(d0, d1) -> (0)>
#map2 = affine_map<(d0, d1) -> (0, 0, 0)>
module attributes {stable_mosaic.version = 14 : i64} {
  func.func @_sc_edge_cnt_body(%arg0: i32, %arg1: i32, %arg2: memref<10000x128xf32, #tpu.memory_space<hbm>>, %arg3: memref<10000x128xf32, #tpu.memory_space<hbm>>, %arg4: memref<320000x128xf32, #tpu.memory_space<hbm>>, %arg5: memref<320000xi32, #tpu.memory_space<hbm>>, %arg6: memref<320000xi32, #tpu.memory_space<hbm>>, %arg7: memref<10112x128xf32, #tpu.memory_space<hbm>>, %arg8: memref<80x128xf32, #tpu.memory_space<hbm>>, %arg9: memref<2x10112x128xf32, #tpu.memory_space<hbm>>, %arg10: memref<2x10112x128xf32, #tpu.memory_space<hbm>>, %arg11: memref<80xi32, #tpu.memory_space<vmem>>, %arg12: memref<80xi32, #tpu.memory_space<vmem>>, %arg13: memref<80x128xf32, #tpu.memory_space<vmem>>, %arg14: memref<80x128xf32, #tpu.memory_space<vmem>>, %arg15: memref<80x128xf32, #tpu.memory_space<vmem>>, %arg16: memref<80x128xf32, #tpu.memory_space<vmem>>, %arg17: memref<10112x128xf32, #tpu.memory_space<vmem_shared>>, %arg18: memref<!tpu.dma_semaphore, #tpu.memory_space<semaphore_mem>>, %arg19: memref<!tpu.dma_semaphore, #tpu.memory_space<semaphore_mem>>) attributes {dimension_semantics = [#tpu.dimension_semantics<core_parallel>, #tpu.dimension_semantics<subcore_parallel>], iteration_bounds = array<i64: 2, 16>, scalar_prefetch = 0 : i64, scratch_operands = 9 : i64, tpu.core_type = #tpu.core_type<sc_vector_subcore>, window_params = [{transform_indices = #map}, {transform_indices = #map}, {transform_indices = #map}, {transform_indices = #map1}, {transform_indices = #map1}, {transform_indices = #map}, {transform_indices = #map}, {transform_indices = #map2}, {transform_indices = #map2}]} {
    %mul3A = arith.constant 2 : i32
    %mul3A_0 = arith.muli %arg1, %mul3A : i32
    %add3A = arith.addi %mul3A_0, %arg0 : i32
    %mul3A_1 = arith.constant 10000 : i32
    %mul3A_2 = arith.muli %add3A, %mul3A_1 : i32
    %mul3A_3 = arith.constant 632 : i32
    %mul3A_4 = arith.muli %arg1, %mul3A_3 : i32
    %mul3A_5 = arith.constant 632 : i32
    %mul3A_6 = arith.muli %arg1, %mul3A_5 : i32
    "tpu.region"() ({
      %run_scoped3A = tpu.sem_alloc : memref<!tpu.dma_semaphore, #tpu.memory_space<semaphore_mem>>
      %dma_start3A = arith.constant 0 : i32
      %dma_start3A_34 = tpu.memref_slice %arg17[%mul3A_6, %dma_start3A] : memref<10112x128xf32, #tpu.memory_space<vmem_shared>> -> memref<632x128xf32, #tpu.memory_space<vmem_shared>>
      %dma_start3A_35 = arith.constant 0 : i32
      %dma_start3A_36 = tpu.memref_slice %arg7[%mul3A_4, %dma_start3A_35] : memref<10112x128xf32, #tpu.memory_space<hbm>> -> memref<632x128xf32, #tpu.memory_space<hbm>>
      tpu.enqueue_dma source(%dma_start3A_36 : memref<632x128xf32, #tpu.memory_space<hbm>>) target(%dma_start3A_34 : memref<632x128xf32, #tpu.memory_space<vmem_shared>>) target_semaphore(%run_scoped3A : memref<!tpu.dma_semaphore, #tpu.memory_space<semaphore_mem>>)
      %dma_wait3A = arith.constant 0 : i32
      %dma_wait3A_37 = tpu.memref_slice %arg17[%mul3A_6, %dma_wait3A] : memref<10112x128xf32, #tpu.memory_space<vmem_shared>> -> memref<632x128xf32, #tpu.memory_space<vmem_shared>>
      %dma_wait3A_38 = arith.constant 0 : i32
      %dma_wait3A_39 = tpu.memref_slice %arg7[%mul3A_4, %dma_wait3A_38] : memref<10112x128xf32, #tpu.memory_space<hbm>> -> memref<632x128xf32, #tpu.memory_space<hbm>>
      tpu.wait_dma2 semaphore(%run_scoped3A : memref<!tpu.dma_semaphore, #tpu.memory_space<semaphore_mem>>) src(%dma_wait3A_39 : memref<632x128xf32, #tpu.memory_space<hbm>>) dst(%dma_wait3A_37 : memref<632x128xf32, #tpu.memory_space<vmem_shared>>)
      tpu.yield
    }) : () -> ()
    "tpu.region"() ({
      %run_scoped3A = tpu.sem_alloc : memref<!tpu.dma_semaphore, #tpu.memory_space<semaphore_mem>>
      tpu.enqueue_dma source(%arg8 : memref<80x128xf32, #tpu.memory_space<hbm>>) target(%arg16 : memref<80x128xf32, #tpu.memory_space<vmem>>) target_semaphore(%run_scoped3A : memref<!tpu.dma_semaphore, #tpu.memory_space<semaphore_mem>>)
      tpu.wait_dma2 semaphore(%run_scoped3A : memref<!tpu.dma_semaphore, #tpu.memory_space<semaphore_mem>>) src(%arg8 : memref<80x128xf32, #tpu.memory_space<hbm>>) dst(%arg16 : memref<80x128xf32, #tpu.memory_space<vmem>>)
      tpu.yield
    }) : () -> ()
    %barrier3A = arith.constant 0 : index
    tpu.barrier barrier_id(%barrier3A)
    %scan3A = arith.constant 0 : i32
    %scan3A_7 = arith.constant 0 : i32
    %scan3A_8 = arith.constant 125 : i32
    %scan3A_9 = arith.addi %scan3A_7, %scan3A_8 : i32
    %scan3A_10 = arith.constant 1 : i32
    scf.for %scan3A_34 = %scan3A_7 to %scan3A_9 step %scan3A_10  : i32 {
      %mul3A_35 = arith.constant 80 : i32
      %mul3A_36 = arith.muli %scan3A_34, %mul3A_35 : i32
      %add3A_37 = arith.addi %mul3A_2, %mul3A_36 : i32
      "tpu.region"() ({
        %run_scoped3A = tpu.sem_alloc : memref<!tpu.dma_semaphore, #tpu.memory_space<semaphore_mem>>
        %dma_start3A = tpu.memref_slice %arg5[%add3A_37] : memref<320000xi32, #tpu.memory_space<hbm>> -> memref<80xi32, #tpu.memory_space<hbm>>
        %dma_start3A_38 = tpu.memref_slice %arg5[%add3A_37] : memref<320000xi32, #tpu.memory_space<hbm>> -> memref<80xi32, #tpu.memory_space<hbm>>
        tpu.enqueue_dma source(%dma_start3A_38 : memref<80xi32, #tpu.memory_space<hbm>>) target(%arg11 : memref<80xi32, #tpu.memory_space<vmem>>) target_semaphore(%run_scoped3A : memref<!tpu.dma_semaphore, #tpu.memory_space<semaphore_mem>>)
        %dma_wait3A = tpu.memref_slice %arg5[%add3A_37] : memref<320000xi32, #tpu.memory_space<hbm>> -> memref<80xi32, #tpu.memory_space<hbm>>
        %dma_wait3A_39 = tpu.memref_slice %arg5[%add3A_37] : memref<320000xi32, #tpu.memory_space<hbm>> -> memref<80xi32, #tpu.memory_space<hbm>>
        tpu.wait_dma2 semaphore(%run_scoped3A : memref<!tpu.dma_semaphore, #tpu.memory_space<semaphore_mem>>) src(%dma_wait3A_39 : memref<80xi32, #tpu.memory_space<hbm>>) dst(%arg11 : memref<80xi32, #tpu.memory_space<vmem>>)
        tpu.yield
      }) : () -> ()
      "tpu.region"() ({
        %run_scoped3A = tpu.sem_alloc : memref<!tpu.dma_semaphore, #tpu.memory_space<semaphore_mem>>
        %dma_start3A = arith.constant 0 : i32
        %dma_start3A_38 = arith.constant 0 : i32
        %dma_start3A_39 = tpu.memref_slice %arg17[%dma_start3A, %dma_start3A_38] : memref<10112x128xf32, #tpu.memory_space<vmem_shared>> -> memref<10112x128xf32, #tpu.memory_space<vmem_shared>>
        tpu.enqueue_indirect_dma source(%arg16 : memref<80x128xf32, #tpu.memory_space<vmem>>) target(%dma_start3A_39 : memref<10112x128xf32, #tpu.memory_space<vmem_shared>>) offsets(%arg11 : memref<80xi32, #tpu.memory_space<vmem>>) semaphore(%run_scoped3A : memref<!tpu.dma_semaphore, #tpu.memory_space<semaphore_mem>>) {add = true}
        %dma_wait3A = arith.constant 0 : i32
        %dma_wait3A_40 = arith.constant 0 : i32
        %dma_wait3A_41 = tpu.memref_slice %arg17[%dma_wait3A, %dma_wait3A_40] : memref<10112x128xf32, #tpu.memory_space<vmem_shared>> -> memref<10112x128xf32, #tpu.memory_space<vmem_shared>>
        tpu.wait_indirect_dma semaphore(%run_scoped3A : memref<!tpu.dma_semaphore, #tpu.memory_space<semaphore_mem>>) src(%arg16 : memref<80x128xf32, #tpu.memory_space<vmem>>) dst(%dma_wait3A_41 : memref<10112x128xf32, #tpu.memory_space<vmem_shared>>)
        tpu.yield
      }) : () -> ()
    }
    %scan3A_11 = arith.constant 125 : i32
    %barrier3A_12 = arith.constant 0 : index
    tpu.barrier barrier_id(%barrier3A_12)
    %mul3A_13 = arith.constant 632 : i32
    %mul3A_14 = arith.muli %arg1, %mul3A_13 : i32
    %mul3A_15 = arith.constant 632 : i32
    %mul3A_16 = arith.muli %arg1, %mul3A_15 : i32
    "tpu.region"() ({
      %run_scoped3A = tpu.sem_alloc : memref<!tpu.dma_semaphore, #tpu.memory_space<semaphore_mem>>
      %dma_start3A = arith.constant 0 : i32
      %dma_start3A_34 = tpu.memref_slice %arg10[%arg0, %mul3A_16, %dma_start3A] : memref<2x10112x128xf32, #tpu.memory_space<hbm>> -> memref<1x632x128xf32, #tpu.memory_space<hbm>>
      %dma_start3A_35 = tpu.memref_squeeze %dma_start3A_34 : memref<1x632x128xf32, #tpu.memory_space<hbm>> -> memref<632x128xf32, #tpu.memory_space<hbm>>
      %dma_start3A_36 = arith.constant 0 : i32
      %dma_start3A_37 = tpu.memref_slice %arg17[%mul3A_14, %dma_start3A_36] : memref<10112x128xf32, #tpu.memory_space<vmem_shared>> -> memref<632x128xf32, #tpu.memory_space<vmem_shared>>
      tpu.enqueue_dma source(%dma_start3A_37 : memref<632x128xf32, #tpu.memory_space<vmem_shared>>) target(%dma_start3A_35 : memref<632x128xf32, #tpu.memory_space<hbm>>) target_semaphore(%run_scoped3A : memref<!tpu.dma_semaphore, #tpu.memory_space<semaphore_mem>>)
      %dma_wait3A = arith.constant 0 : i32
      %dma_wait3A_38 = tpu.memref_slice %arg10[%arg0, %mul3A_16, %dma_wait3A] : memref<2x10112x128xf32, #tpu.memory_space<hbm>> -> memref<1x632x128xf32, #tpu.memory_space<hbm>>
      %dma_wait3A_39 = tpu.memref_squeeze %dma_wait3A_38 : memref<1x632x128xf32, #tpu.memory_space<hbm>> -> memref<632x128xf32, #tpu.memory_space<hbm>>
      %dma_wait3A_40 = arith.constant 0 : i32
      %dma_wait3A_41 = tpu.memref_slice %arg17[%mul3A_14, %dma_wait3A_40] : memref<10112x128xf32, #tpu.memory_space<vmem_shared>> -> memref<632x128xf32, #tpu.memory_space<vmem_shared>>
      tpu.wait_dma2 semaphore(%run_scoped3A : memref<!tpu.dma_semaphore, #tpu.memory_space<semaphore_mem>>) src(%dma_wait3A_41 : memref<632x128xf32, #tpu.memory_space<vmem_shared>>) dst(%dma_wait3A_39 : memref<632x128xf32, #tpu.memory_space<hbm>>)
      tpu.yield
    }) : () -> ()
    %barrier3A_17 = arith.constant 0 : index
    tpu.barrier barrier_id(%barrier3A_17)
    %mul3A_18 = arith.constant 632 : i32
    %mul3A_19 = arith.muli %arg1, %mul3A_18 : i32
    %mul3A_20 = arith.constant 632 : i32
    %mul3A_21 = arith.muli %arg1, %mul3A_20 : i32
    "tpu.region"() ({
      %run_scoped3A = tpu.sem_alloc : memref<!tpu.dma_semaphore, #tpu.memory_space<semaphore_mem>>
      %dma_start3A = arith.constant 0 : i32
      %dma_start3A_34 = tpu.memref_slice %arg17[%mul3A_21, %dma_start3A] : memref<10112x128xf32, #tpu.memory_space<vmem_shared>> -> memref<632x128xf32, #tpu.memory_space<vmem_shared>>
      %dma_start3A_35 = arith.constant 0 : i32
      %dma_start3A_36 = tpu.memref_slice %arg7[%mul3A_19, %dma_start3A_35] : memref<10112x128xf32, #tpu.memory_space<hbm>> -> memref<632x128xf32, #tpu.memory_space<hbm>>
      tpu.enqueue_dma source(%dma_start3A_36 : memref<632x128xf32, #tpu.memory_space<hbm>>) target(%dma_start3A_34 : memref<632x128xf32, #tpu.memory_space<vmem_shared>>) target_semaphore(%run_scoped3A : memref<!tpu.dma_semaphore, #tpu.memory_space<semaphore_mem>>)
      %dma_wait3A = arith.constant 0 : i32
      %dma_wait3A_37 = tpu.memref_slice %arg17[%mul3A_21, %dma_wait3A] : memref<10112x128xf32, #tpu.memory_space<vmem_shared>> -> memref<632x128xf32, #tpu.memory_space<vmem_shared>>
      %dma_wait3A_38 = arith.constant 0 : i32
      %dma_wait3A_39 = tpu.memref_slice %arg7[%mul3A_19, %dma_wait3A_38] : memref<10112x128xf32, #tpu.memory_space<hbm>> -> memref<632x128xf32, #tpu.memory_space<hbm>>
      tpu.wait_dma2 semaphore(%run_scoped3A : memref<!tpu.dma_semaphore, #tpu.memory_space<semaphore_mem>>) src(%dma_wait3A_39 : memref<632x128xf32, #tpu.memory_space<hbm>>) dst(%dma_wait3A_37 : memref<632x128xf32, #tpu.memory_space<vmem_shared>>)
      tpu.yield
    }) : () -> ()
    %barrier3A_22 = arith.constant 0 : index
    tpu.barrier barrier_id(%barrier3A_22)
    %scan3A_23 = arith.constant 0 : i32
    %scan3A_24 = arith.constant 0 : i32
    %scan3A_25 = arith.constant 125 : i32
    %scan3A_26 = arith.addi %scan3A_24, %scan3A_25 : i32
    %scan3A_27 = arith.constant 1 : i32
    scf.for %scan3A_34 = %scan3A_24 to %scan3A_26 step %scan3A_27  : i32 {
      %mul3A_35 = arith.constant 80 : i32
      %mul3A_36 = arith.muli %scan3A_34, %mul3A_35 : i32
      %add3A_37 = arith.addi %mul3A_2, %mul3A_36 : i32
      "tpu.region"() ({
        %run_scoped3A = tpu.sem_alloc : memref<!tpu.dma_semaphore, #tpu.memory_space<semaphore_mem>>
        %dma_start3A_54 = tpu.memref_slice %arg5[%add3A_37] : memref<320000xi32, #tpu.memory_space<hbm>> -> memref<80xi32, #tpu.memory_space<hbm>>
        %dma_start3A_55 = tpu.memref_slice %arg5[%add3A_37] : memref<320000xi32, #tpu.memory_space<hbm>> -> memref<80xi32, #tpu.memory_space<hbm>>
        tpu.enqueue_dma source(%dma_start3A_55 : memref<80xi32, #tpu.memory_space<hbm>>) target(%arg11 : memref<80xi32, #tpu.memory_space<vmem>>) target_semaphore(%run_scoped3A : memref<!tpu.dma_semaphore, #tpu.memory_space<semaphore_mem>>)
        %dma_wait3A_56 = tpu.memref_slice %arg5[%add3A_37] : memref<320000xi32, #tpu.memory_space<hbm>> -> memref<80xi32, #tpu.memory_space<hbm>>
        %dma_wait3A_57 = tpu.memref_slice %arg5[%add3A_37] : memref<320000xi32, #tpu.memory_space<hbm>> -> memref<80xi32, #tpu.memory_space<hbm>>
        tpu.wait_dma2 semaphore(%run_scoped3A : memref<!tpu.dma_semaphore, #tpu.memory_space<semaphore_mem>>) src(%dma_wait3A_57 : memref<80xi32, #tpu.memory_space<hbm>>) dst(%arg11 : memref<80xi32, #tpu.memory_space<vmem>>)
        tpu.yield
      }) : () -> ()
      "tpu.region"() ({
        %run_scoped3A = tpu.sem_alloc : memref<!tpu.dma_semaphore, #tpu.memory_space<semaphore_mem>>
        %dma_start3A_54 = tpu.memref_slice %arg6[%add3A_37] : memref<320000xi32, #tpu.memory_space<hbm>> -> memref<80xi32, #tpu.memory_space<hbm>>
        %dma_start3A_55 = tpu.memref_slice %arg6[%add3A_37] : memref<320000xi32, #tpu.memory_space<hbm>> -> memref<80xi32, #tpu.memory_space<hbm>>
        tpu.enqueue_dma source(%dma_start3A_55 : memref<80xi32, #tpu.memory_space<hbm>>) target(%arg12 : memref<80xi32, #tpu.memory_space<vmem>>) target_semaphore(%run_scoped3A : memref<!tpu.dma_semaphore, #tpu.memory_space<semaphore_mem>>)
        %dma_wait3A_56 = tpu.memref_slice %arg6[%add3A_37] : memref<320000xi32, #tpu.memory_space<hbm>> -> memref<80xi32, #tpu.memory_space<hbm>>
        %dma_wait3A_57 = tpu.memref_slice %arg6[%add3A_37] : memref<320000xi32, #tpu.memory_space<hbm>> -> memref<80xi32, #tpu.memory_space<hbm>>
        tpu.wait_dma2 semaphore(%run_scoped3A : memref<!tpu.dma_semaphore, #tpu.memory_space<semaphore_mem>>) src(%dma_wait3A_57 : memref<80xi32, #tpu.memory_space<hbm>>) dst(%arg12 : memref<80xi32, #tpu.memory_space<vmem>>)
        tpu.yield
      }) : () -> ()
      %dma_start3A = arith.constant 0 : i32
      %dma_start3A_38 = arith.constant 0 : i32
      %dma_start3A_39 = tpu.memref_slice %arg2[%dma_start3A, %dma_start3A_38] : memref<10000x128xf32, #tpu.memory_space<hbm>> -> memref<10000x128xf32, #tpu.memory_space<hbm>>
      tpu.enqueue_indirect_dma source(%dma_start3A_39 : memref<10000x128xf32, #tpu.memory_space<hbm>>) target(%arg13 : memref<80x128xf32, #tpu.memory_space<vmem>>) offsets(%arg11 : memref<80xi32, #tpu.memory_space<vmem>>) semaphore(%arg18 : memref<!tpu.dma_semaphore, #tpu.memory_space<semaphore_mem>>)
      %dma_start3A_40 = arith.constant 0 : i32
      %dma_start3A_41 = arith.constant 0 : i32
      %dma_start3A_42 = tpu.memref_slice %arg3[%dma_start3A_40, %dma_start3A_41] : memref<10000x128xf32, #tpu.memory_space<hbm>> -> memref<10000x128xf32, #tpu.memory_space<hbm>>
      tpu.enqueue_indirect_dma source(%dma_start3A_42 : memref<10000x128xf32, #tpu.memory_space<hbm>>) target(%arg14 : memref<80x128xf32, #tpu.memory_space<vmem>>) offsets(%arg12 : memref<80xi32, #tpu.memory_space<vmem>>) semaphore(%arg19 : memref<!tpu.dma_semaphore, #tpu.memory_space<semaphore_mem>>)
      "tpu.region"() ({
        %run_scoped3A = tpu.sem_alloc : memref<!tpu.dma_semaphore, #tpu.memory_space<semaphore_mem>>
        %dma_start3A_54 = arith.constant 0 : i32
        %dma_start3A_55 = tpu.memref_slice %arg4[%add3A_37, %dma_start3A_54] : memref<320000x128xf32, #tpu.memory_space<hbm>> -> memref<80x128xf32, #tpu.memory_space<hbm>>
        %dma_start3A_56 = arith.constant 0 : i32
        %dma_start3A_57 = tpu.memref_slice %arg4[%add3A_37, %dma_start3A_56] : memref<320000x128xf32, #tpu.memory_space<hbm>> -> memref<80x128xf32, #tpu.memory_space<hbm>>
        tpu.enqueue_dma source(%dma_start3A_57 : memref<80x128xf32, #tpu.memory_space<hbm>>) target(%arg15 : memref<80x128xf32, #tpu.memory_space<vmem>>) target_semaphore(%run_scoped3A : memref<!tpu.dma_semaphore, #tpu.memory_space<semaphore_mem>>)
        %dma_wait3A_58 = arith.constant 0 : i32
        %dma_wait3A_59 = tpu.memref_slice %arg4[%add3A_37, %dma_wait3A_58] : memref<320000x128xf32, #tpu.memory_space<hbm>> -> memref<80x128xf32, #tpu.memory_space<hbm>>
        %dma_wait3A_60 = arith.constant 0 : i32
        %dma_wait3A_61 = tpu.memref_slice %arg4[%add3A_37, %dma_wait3A_60] : memref<320000x128xf32, #tpu.memory_space<hbm>> -> memref<80x128xf32, #tpu.memory_space<hbm>>
        tpu.wait_dma2 semaphore(%run_scoped3A : memref<!tpu.dma_semaphore, #tpu.memory_space<semaphore_mem>>) src(%dma_wait3A_61 : memref<80x128xf32, #tpu.memory_space<hbm>>) dst(%arg15 : memref<80x128xf32, #tpu.memory_space<vmem>>)
        tpu.yield
      }) : () -> ()
      %dma_wait3A = arith.constant 0 : i32
      %dma_wait3A_43 = arith.constant 0 : i32
      %dma_wait3A_44 = tpu.memref_slice %arg2[%dma_wait3A, %dma_wait3A_43] : memref<10000x128xf32, #tpu.memory_space<hbm>> -> memref<10000x128xf32, #tpu.memory_space<hbm>>
      tpu.wait_indirect_dma semaphore(%arg18 : memref<!tpu.dma_semaphore, #tpu.memory_space<semaphore_mem>>) src(%dma_wait3A_44 : memref<10000x128xf32, #tpu.memory_space<hbm>>) dst(%arg13 : memref<80x128xf32, #tpu.memory_space<vmem>>)
      %dma_wait3A_45 = arith.constant 0 : i32
      %dma_wait3A_46 = arith.constant 0 : i32
      %dma_wait3A_47 = tpu.memref_slice %arg3[%dma_wait3A_45, %dma_wait3A_46] : memref<10000x128xf32, #tpu.memory_space<hbm>> -> memref<10000x128xf32, #tpu.memory_space<hbm>>
      tpu.wait_indirect_dma semaphore(%arg19 : memref<!tpu.dma_semaphore, #tpu.memory_space<semaphore_mem>>) src(%dma_wait3A_47 : memref<10000x128xf32, #tpu.memory_space<hbm>>) dst(%arg14 : memref<80x128xf32, #tpu.memory_space<vmem>>)
      %scan3A_48 = arith.constant 0 : i32
      %scan3A_49 = arith.constant 0 : i32
      %scan3A_50 = arith.constant 80 : i32
      %scan3A_51 = arith.addi %scan3A_49, %scan3A_50 : i32
      %scan3A_52 = arith.constant 1 : i32
      scf.for %scan3A_54 = %scan3A_49 to %scan3A_51 step %scan3A_52  : i32 {
        %get3A = arith.index_cast %scan3A_54 : i32 to index
        %get3A_55 = arith.constant 0 : index
        %get3A_56 = tpu.vector_load %arg13[%get3A, %get3A_55] {strides = array<i32>} : memref<80x128xf32, #tpu.memory_space<vmem>>, vector<1x16xf32>,
        %get3A_57 = vector.shape_cast %get3A_56 : vector<1x16xf32> to vector<16xf32>
        %get3A_58 = arith.index_cast %scan3A_54 : i32 to index
        %get3A_59 = arith.constant 0 : index
        %get3A_60 = tpu.vector_load %arg14[%get3A_58, %get3A_59] {strides = array<i32>} : memref<80x128xf32, #tpu.memory_space<vmem>>, vector<1x16xf32>,
        %get3A_61 = vector.shape_cast %get3A_60 : vector<1x16xf32> to vector<16xf32>
        %add3A_62 = arith.addf %get3A_57, %get3A_61 : vector<16xf32>
        %get3A_63 = arith.index_cast %scan3A_54 : i32 to index
        %get3A_64 = arith.constant 0 : index
        %get3A_65 = tpu.vector_load %arg15[%get3A_63, %get3A_64] {strides = array<i32>} : memref<80x128xf32, #tpu.memory_space<vmem>>, vector<1x16xf32>,
        %get3A_66 = vector.shape_cast %get3A_65 : vector<1x16xf32> to vector<16xf32>
        %add3A_67 = arith.addf %add3A_62, %get3A_66 : vector<16xf32>
        %max3A = arith.constant 0.000000e+00 : f32
        %max3A_68 = vector.broadcast %max3A : f32 to vector<16xf32>
        %max3A_69 = arith.maximumf %add3A_67, %max3A_68 : vector<16xf32>
        %swap3A = arith.index_cast %scan3A_54 : i32 to index
        %swap3A_70 = arith.constant 0 : index
        %swap3A_71 = tpu.vector_load %arg16[%swap3A, %swap3A_70] {strides = array<i32>} : memref<80x128xf32, #tpu.memory_space<vmem>>, vector<1x16xf32>,
        %swap3A_72 = vector.shape_cast %swap3A_71 : vector<1x16xf32> to vector<16xf32>
        %swap3A_73 = vector.shape_cast %max3A_69 : vector<16xf32> to vector<1x16xf32>
        tpu.vector_store %arg16[%swap3A, %swap3A_70], %swap3A_73 {strides = array<i32>} : memref<80x128xf32, #tpu.memory_space<vmem>>, vector<1x16xf32>,
        %get3A_74 = arith.index_cast %scan3A_54 : i32 to index
        %get3A_75 = arith.constant 16 : index
        %get3A_76 = tpu.vector_load %arg13[%get3A_74, %get3A_75] {strides = array<i32>} : memref<80x128xf32, #tpu.memory_space<vmem>>, vector<1x16xf32>,
        %get3A_77 = vector.shape_cast %get3A_76 : vector<1x16xf32> to vector<16xf32>
        %get3A_78 = arith.index_cast %scan3A_54 : i32 to index
        %get3A_79 = arith.constant 16 : index
        %get3A_80 = tpu.vector_load %arg14[%get3A_78, %get3A_79] {strides = array<i32>} : memref<80x128xf32, #tpu.memory_space<vmem>>, vector<1x16xf32>,
        %get3A_81 = vector.shape_cast %get3A_80 : vector<1x16xf32> to vector<16xf32>
        %add3A_82 = arith.addf %get3A_77, %get3A_81 : vector<16xf32>
        %get3A_83 = arith.index_cast %scan3A_54 : i32 to index
        %get3A_84 = arith.constant 16 : index
        %get3A_85 = tpu.vector_load %arg15[%get3A_83, %get3A_84] {strides = array<i32>} : memref<80x128xf32, #tpu.memory_space<vmem>>, vector<1x16xf32>,
        %get3A_86 = vector.shape_cast %get3A_85 : vector<1x16xf32> to vector<16xf32>
        %add3A_87 = arith.addf %add3A_82, %get3A_86 : vector<16xf32>
        %max3A_88 = arith.constant 0.000000e+00 : f32
        %max3A_89 = vector.broadcast %max3A_88 : f32 to vector<16xf32>
        %max3A_90 = arith.maximumf %add3A_87, %max3A_89 : vector<16xf32>
        %swap3A_91 = arith.index_cast %scan3A_54 : i32 to index
        %swap3A_92 = arith.constant 16 : index
        %swap3A_93 = tpu.vector_load %arg16[%swap3A_91, %swap3A_92] {strides = array<i32>} : memref<80x128xf32, #tpu.memory_space<vmem>>, vector<1x16xf32>,
        %swap3A_94 = vector.shape_cast %swap3A_93 : vector<1x16xf32> to vector<16xf32>
        %swap3A_95 = vector.shape_cast %max3A_90 : vector<16xf32> to vector<1x16xf32>
        tpu.vector_store %arg16[%swap3A_91, %swap3A_92], %swap3A_95 {strides = array<i32>} : memref<80x128xf32, #tpu.memory_space<vmem>>, vector<1x16xf32>,
        %get3A_96 = arith.index_cast %scan3A_54 : i32 to index
        %get3A_97 = arith.constant 32 : index
        %get3A_98 = tpu.vector_load %arg13[%get3A_96, %get3A_97] {strides = array<i32>} : memref<80x128xf32, #tpu.memory_space<vmem>>, vector<1x16xf32>,
        %get3A_99 = vector.shape_cast %get3A_98 : vector<1x16xf32> to vector<16xf32>
        %get3A_100 = arith.index_cast %scan3A_54 : i32 to index
        %get3A_101 = arith.constant 32 : index
        %get3A_102 = tpu.vector_load %arg14[%get3A_100, %get3A_101] {strides = array<i32>} : memref<80x128xf32, #tpu.memory_space<vmem>>, vector<1x16xf32>,
        %get3A_103 = vector.shape_cast %get3A_102 : vector<1x16xf32> to vector<16xf32>
        %add3A_104 = arith.addf %get3A_99, %get3A_103 : vector<16xf32>
        %get3A_105 = arith.index_cast %scan3A_54 : i32 to index
        %get3A_106 = arith.constant 32 : index
        %get3A_107 = tpu.vector_load %arg15[%get3A_105, %get3A_106] {strides = array<i32>} : memref<80x128xf32, #tpu.memory_space<vmem>>, vector<1x16xf32>,
        %get3A_108 = vector.shape_cast %get3A_107 : vector<1x16xf32> to vector<16xf32>
        %add3A_109 = arith.addf %add3A_104, %get3A_108 : vector<16xf32>
        %max3A_110 = arith.constant 0.000000e+00 : f32
        %max3A_111 = vector.broadcast %max3A_110 : f32 to vector<16xf32>
        %max3A_112 = arith.maximumf %add3A_109, %max3A_111 : vector<16xf32>
        %swap3A_113 = arith.index_cast %scan3A_54 : i32 to index
        %swap3A_114 = arith.constant 32 : index
        %swap3A_115 = tpu.vector_load %arg16[%swap3A_113, %swap3A_114] {strides = array<i32>} : memref<80x128xf32, #tpu.memory_space<vmem>>, vector<1x16xf32>,
        %swap3A_116 = vector.shape_cast %swap3A_115 : vector<1x16xf32> to vector<16xf32>
        %swap3A_117 = vector.shape_cast %max3A_112 : vector<16xf32> to vector<1x16xf32>
        tpu.vector_store %arg16[%swap3A_113, %swap3A_114], %swap3A_117 {strides = array<i32>} : memref<80x128xf32, #tpu.memory_space<vmem>>, vector<1x16xf32>,
        %get3A_118 = arith.index_cast %scan3A_54 : i32 to index
        %get3A_119 = arith.constant 48 : index
        %get3A_120 = tpu.vector_load %arg13[%get3A_118, %get3A_119] {strides = array<i32>} : memref<80x128xf32, #tpu.memory_space<vmem>>, vector<1x16xf32>,
        %get3A_121 = vector.shape_cast %get3A_120 : vector<1x16xf32> to vector<16xf32>
        %get3A_122 = arith.index_cast %scan3A_54 : i32 to index
        %get3A_123 = arith.constant 48 : index
        %get3A_124 = tpu.vector_load %arg14[%get3A_122, %get3A_123] {strides = array<i32>} : memref<80x128xf32, #tpu.memory_space<vmem>>, vector<1x16xf32>,
        %get3A_125 = vector.shape_cast %get3A_124 : vector<1x16xf32> to vector<16xf32>
        %add3A_126 = arith.addf %get3A_121, %get3A_125 : vector<16xf32>
        %get3A_127 = arith.index_cast %scan3A_54 : i32 to index
        %get3A_128 = arith.constant 48 : index
        %get3A_129 = tpu.vector_load %arg15[%get3A_127, %get3A_128] {strides = array<i32>} : memref<80x128xf32, #tpu.memory_space<vmem>>, vector<1x16xf32>,
        %get3A_130 = vector.shape_cast %get3A_129 : vector<1x16xf32> to vector<16xf32>
        %add3A_131 = arith.addf %add3A_126, %get3A_130 : vector<16xf32>
        %max3A_132 = arith.constant 0.000000e+00 : f32
        %max3A_133 = vector.broadcast %max3A_132 : f32 to vector<16xf32>
        %max3A_134 = arith.maximumf %add3A_131, %max3A_133 : vector<16xf32>
        %swap3A_135 = arith.index_cast %scan3A_54 : i32 to index
        %swap3A_136 = arith.constant 48 : index
        %swap3A_137 = tpu.vector_load %arg16[%swap3A_135, %swap3A_136] {strides = array<i32>} : memref<80x128xf32, #tpu.memory_space<vmem>>, vector<1x16xf32>,
        %swap3A_138 = vector.shape_cast %swap3A_137 : vector<1x16xf32> to vector<16xf32>
        %swap3A_139 = vector.shape_cast %max3A_134 : vector<16xf32> to vector<1x16xf32>
        tpu.vector_store %arg16[%swap3A_135, %swap3A_136], %swap3A_139 {strides = array<i32>} : memref<80x128xf32, #tpu.memory_space<vmem>>, vector<1x16xf32>,
        %get3A_140 = arith.index_cast %scan3A_54 : i32 to index
        %get3A_141 = arith.constant 64 : index
        %get3A_142 = tpu.vector_load %arg13[%get3A_140, %get3A_141] {strides = array<i32>} : memref<80x128xf32, #tpu.memory_space<vmem>>, vector<1x16xf32>,
        %get3A_143 = vector.shape_cast %get3A_142 : vector<1x16xf32> to vector<16xf32>
        %get3A_144 = arith.index_cast %scan3A_54 : i32 to index
        %get3A_145 = arith.constant 64 : index
        %get3A_146 = tpu.vector_load %arg14[%get3A_144, %get3A_145] {strides = array<i32>} : memref<80x128xf32, #tpu.memory_space<vmem>>, vector<1x16xf32>,
        %get3A_147 = vector.shape_cast %get3A_146 : vector<1x16xf32> to vector<16xf32>
        %add3A_148 = arith.addf %get3A_143, %get3A_147 : vector<16xf32>
        %get3A_149 = arith.index_cast %scan3A_54 : i32 to index
        %get3A_150 = arith.constant 64 : index
        %get3A_151 = tpu.vector_load %arg15[%get3A_149, %get3A_150] {strides = array<i32>} : memref<80x128xf32, #tpu.memory_space<vmem>>, vector<1x16xf32>,
        %get3A_152 = vector.shape_cast %get3A_151 : vector<1x16xf32> to vector<16xf32>
        %add3A_153 = arith.addf %add3A_148, %get3A_152 : vector<16xf32>
        %max3A_154 = arith.constant 0.000000e+00 : f32
        %max3A_155 = vector.broadcast %max3A_154 : f32 to vector<16xf32>
        %max3A_156 = arith.maximumf %add3A_153, %max3A_155 : vector<16xf32>
        %swap3A_157 = arith.index_cast %scan3A_54 : i32 to index
        %swap3A_158 = arith.constant 64 : index
        %swap3A_159 = tpu.vector_load %arg16[%swap3A_157, %swap3A_158] {strides = array<i32>} : memref<80x128xf32, #tpu.memory_space<vmem>>, vector<1x16xf32>,
        %swap3A_160 = vector.shape_cast %swap3A_159 : vector<1x16xf32> to vector<16xf32>
        %swap3A_161 = vector.shape_cast %max3A_156 : vector<16xf32> to vector<1x16xf32>
        tpu.vector_store %arg16[%swap3A_157, %swap3A_158], %swap3A_161 {strides = array<i32>} : memref<80x128xf32, #tpu.memory_space<vmem>>, vector<1x16xf32>,
        %get3A_162 = arith.index_cast %scan3A_54 : i32 to index
        %get3A_163 = arith.constant 80 : index
        %get3A_164 = tpu.vector_load %arg13[%get3A_162, %get3A_163] {strides = array<i32>} : memref<80x128xf32, #tpu.memory_space<vmem>>, vector<1x16xf32>,
        %get3A_165 = vector.shape_cast %get3A_164 : vector<1x16xf32> to vector<16xf32>
        %get3A_166 = arith.index_cast %scan3A_54 : i32 to index
        %get3A_167 = arith.constant 80 : index
        %get3A_168 = tpu.vector_load %arg14[%get3A_166, %get3A_167] {strides = array<i32>} : memref<80x128xf32, #tpu.memory_space<vmem>>, vector<1x16xf32>,
        %get3A_169 = vector.shape_cast %get3A_168 : vector<1x16xf32> to vector<16xf32>
        %add3A_170 = arith.addf %get3A_165, %get3A_169 : vector<16xf32>
        %get3A_171 = arith.index_cast %scan3A_54 : i32 to index
        %get3A_172 = arith.constant 80 : index
        %get3A_173 = tpu.vector_load %arg15[%get3A_171, %get3A_172] {strides = array<i32>} : memref<80x128xf32, #tpu.memory_space<vmem>>, vector<1x16xf32>,
        %get3A_174 = vector.shape_cast %get3A_173 : vector<1x16xf32> to vector<16xf32>
        %add3A_175 = arith.addf %add3A_170, %get3A_174 : vector<16xf32>
        %max3A_176 = arith.constant 0.000000e+00 : f32
        %max3A_177 = vector.broadcast %max3A_176 : f32 to vector<16xf32>
        %max3A_178 = arith.maximumf %add3A_175, %max3A_177 : vector<16xf32>
        %swap3A_179 = arith.index_cast %scan3A_54 : i32 to index
        %swap3A_180 = arith.constant 80 : index
        %swap3A_181 = tpu.vector_load %arg16[%swap3A_179, %swap3A_180] {strides = array<i32>} : memref<80x128xf32, #tpu.memory_space<vmem>>, vector<1x16xf32>,
        %swap3A_182 = vector.shape_cast %swap3A_181 : vector<1x16xf32> to vector<16xf32>
        %swap3A_183 = vector.shape_cast %max3A_178 : vector<16xf32> to vector<1x16xf32>
        tpu.vector_store %arg16[%swap3A_179, %swap3A_180], %swap3A_183 {strides = array<i32>} : memref<80x128xf32, #tpu.memory_space<vmem>>, vector<1x16xf32>,
        %get3A_184 = arith.index_cast %scan3A_54 : i32 to index
        %get3A_185 = arith.constant 96 : index
        %get3A_186 = tpu.vector_load %arg13[%get3A_184, %get3A_185] {strides = array<i32>} : memref<80x128xf32, #tpu.memory_space<vmem>>, vector<1x16xf32>,
        %get3A_187 = vector.shape_cast %get3A_186 : vector<1x16xf32> to vector<16xf32>
        %get3A_188 = arith.index_cast %scan3A_54 : i32 to index
        %get3A_189 = arith.constant 96 : index
        %get3A_190 = tpu.vector_load %arg14[%get3A_188, %get3A_189] {strides = array<i32>} : memref<80x128xf32, #tpu.memory_space<vmem>>, vector<1x16xf32>,
        %get3A_191 = vector.shape_cast %get3A_190 : vector<1x16xf32> to vector<16xf32>
        %add3A_192 = arith.addf %get3A_187, %get3A_191 : vector<16xf32>
        %get3A_193 = arith.index_cast %scan3A_54 : i32 to index
        %get3A_194 = arith.constant 96 : index
        %get3A_195 = tpu.vector_load %arg15[%get3A_193, %get3A_194] {strides = array<i32>} : memref<80x128xf32, #tpu.memory_space<vmem>>, vector<1x16xf32>,
        %get3A_196 = vector.shape_cast %get3A_195 : vector<1x16xf32> to vector<16xf32>
        %add3A_197 = arith.addf %add3A_192, %get3A_196 : vector<16xf32>
        %max3A_198 = arith.constant 0.000000e+00 : f32
        %max3A_199 = vector.broadcast %max3A_198 : f32 to vector<16xf32>
        %max3A_200 = arith.maximumf %add3A_197, %max3A_199 : vector<16xf32>
        %swap3A_201 = arith.index_cast %scan3A_54 : i32 to index
        %swap3A_202 = arith.constant 96 : index
        %swap3A_203 = tpu.vector_load %arg16[%swap3A_201, %swap3A_202] {strides = array<i32>} : memref<80x128xf32, #tpu.memory_space<vmem>>, vector<1x16xf32>,
        %swap3A_204 = vector.shape_cast %swap3A_203 : vector<1x16xf32> to vector<16xf32>
        %swap3A_205 = vector.shape_cast %max3A_200 : vector<16xf32> to vector<1x16xf32>
        tpu.vector_store %arg16[%swap3A_201, %swap3A_202], %swap3A_205 {strides = array<i32>} : memref<80x128xf32, #tpu.memory_space<vmem>>, vector<1x16xf32>,
        %get3A_206 = arith.index_cast %scan3A_54 : i32 to index
        %get3A_207 = arith.constant 112 : index
        %get3A_208 = tpu.vector_load %arg13[%get3A_206, %get3A_207] {strides = array<i32>} : memref<80x128xf32, #tpu.memory_space<vmem>>, vector<1x16xf32>,
        %get3A_209 = vector.shape_cast %get3A_208 : vector<1x16xf32> to vector<16xf32>
        %get3A_210 = arith.index_cast %scan3A_54 : i32 to index
        %get3A_211 = arith.constant 112 : index
        %get3A_212 = tpu.vector_load %arg14[%get3A_210, %get3A_211] {strides = array<i32>} : memref<80x128xf32, #tpu.memory_space<vmem>>, vector<1x16xf32>,
        %get3A_213 = vector.shape_cast %get3A_212 : vector<1x16xf32> to vector<16xf32>
        %add3A_214 = arith.addf %get3A_209, %get3A_213 : vector<16xf32>
        %get3A_215 = arith.index_cast %scan3A_54 : i32 to index
        %get3A_216 = arith.constant 112 : index
        %get3A_217 = tpu.vector_load %arg15[%get3A_215, %get3A_216] {strides = array<i32>} : memref<80x128xf32, #tpu.memory_space<vmem>>, vector<1x16xf32>,
        %get3A_218 = vector.shape_cast %get3A_217 : vector<1x16xf32> to vector<16xf32>
        %add3A_219 = arith.addf %add3A_214, %get3A_218 : vector<16xf32>
        %max3A_220 = arith.constant 0.000000e+00 : f32
        %max3A_221 = vector.broadcast %max3A_220 : f32 to vector<16xf32>
        %max3A_222 = arith.maximumf %add3A_219, %max3A_221 : vector<16xf32>
        %swap3A_223 = arith.index_cast %scan3A_54 : i32 to index
        %swap3A_224 = arith.constant 112 : index
        %swap3A_225 = tpu.vector_load %arg16[%swap3A_223, %swap3A_224] {strides = array<i32>} : memref<80x128xf32, #tpu.memory_space<vmem>>, vector<1x16xf32>,
        %swap3A_226 = vector.shape_cast %swap3A_225 : vector<1x16xf32> to vector<16xf32>
        %swap3A_227 = vector.shape_cast %max3A_222 : vector<16xf32> to vector<1x16xf32>
        tpu.vector_store %arg16[%swap3A_223, %swap3A_224], %swap3A_227 {strides = array<i32>} : memref<80x128xf32, #tpu.memory_space<vmem>>, vector<1x16xf32>,
      }
      %scan3A_53 = arith.constant 80 : i32
      "tpu.region"() ({
        %run_scoped3A = tpu.sem_alloc : memref<!tpu.dma_semaphore, #tpu.memory_space<semaphore_mem>>
        %dma_start3A_54 = arith.constant 0 : i32
        %dma_start3A_55 = arith.constant 0 : i32
        %dma_start3A_56 = tpu.memref_slice %arg17[%dma_start3A_54, %dma_start3A_55] : memref<10112x128xf32, #tpu.memory_space<vmem_shared>> -> memref<10112x128xf32, #tpu.memory_space<vmem_shared>>
        tpu.enqueue_indirect_dma source(%arg16 : memref<80x128xf32, #tpu.memory_space<vmem>>) target(%dma_start3A_56 : memref<10112x128xf32, #tpu.memory_space<vmem_shared>>) offsets(%arg11 : memref<80xi32, #tpu.memory_space<vmem>>) semaphore(%run_scoped3A : memref<!tpu.dma_semaphore, #tpu.memory_space<semaphore_mem>>) {add = true}
        %dma_wait3A_57 = arith.constant 0 : i32
        %dma_wait3A_58 = arith.constant 0 : i32
        %dma_wait3A_59 = tpu.memref_slice %arg17[%dma_wait3A_57, %dma_wait3A_58] : memref<10112x128xf32, #tpu.memory_space<vmem_shared>> -> memref<10112x128xf32, #tpu.memory_space<vmem_shared>>
        tpu.wait_indirect_dma semaphore(%run_scoped3A : memref<!tpu.dma_semaphore, #tpu.memory_space<semaphore_mem>>) src(%arg16 : memref<80x128xf32, #tpu.memory_space<vmem>>) dst(%dma_wait3A_59 : memref<10112x128xf32, #tpu.memory_space<vmem_shared>>)
        tpu.yield
      }) : () -> ()
    }
    %scan3A_28 = arith.constant 125 : i32
    %barrier3A_29 = arith.constant 0 : index
    tpu.barrier barrier_id(%barrier3A_29)
    %mul3A_30 = arith.constant 632 : i32
    %mul3A_31 = arith.muli %arg1, %mul3A_30 : i32
    %mul3A_32 = arith.constant 632 : i32
    %mul3A_33 = arith.muli %arg1, %mul3A_32 : i32
    "tpu.region"() ({
      %run_scoped3A = tpu.sem_alloc : memref<!tpu.dma_semaphore, #tpu.memory_space<semaphore_mem>>
      %dma_start3A = arith.constant 0 : i32
      %dma_start3A_34 = tpu.memref_slice %arg9[%arg0, %mul3A_33, %dma_start3A] : memref<2x10112x128xf32, #tpu.memory_space<hbm>> -> memref<1x632x128xf32, #tpu.memory_space<hbm>>
      %dma_start3A_35 = tpu.memref_squeeze %dma_start3A_34 : memref<1x632x128xf32, #tpu.memory_space<hbm>> -> memref<632x128xf32, #tpu.memory_space<hbm>>
      %dma_start3A_36 = arith.constant 0 : i32
      %dma_start3A_37 = tpu.memref_slice %arg17[%mul3A_31, %dma_start3A_36] : memref<10112x128xf32, #tpu.memory_space<vmem_shared>> -> memref<632x128xf32, #tpu.memory_space<vmem_shared>>
      tpu.enqueue_dma source(%dma_start3A_37 : memref<632x128xf32, #tpu.memory_space<vmem_shared>>) target(%dma_start3A_35 : memref<632x128xf32, #tpu.memory_space<hbm>>) target_semaphore(%run_scoped3A : memref<!tpu.dma_semaphore, #tpu.memory_space<semaphore_mem>>)
      %dma_wait3A = arith.constant 0 : i32
      %dma_wait3A_38 = tpu.memref_slice %arg9[%arg0, %mul3A_33, %dma_wait3A] : memref<2x10112x128xf32, #tpu.memory_space<hbm>> -> memref<1x632x128xf32, #tpu.memory_space<hbm>>
      %dma_wait3A_39 = tpu.memref_squeeze %dma_wait3A_38 : memref<1x632x128xf32, #tpu.memory_space<hbm>> -> memref<632x128xf32, #tpu.memory_space<hbm>>
      %dma_wait3A_40 = arith.constant 0 : i32
      %dma_wait3A_41 = tpu.memref_slice %arg17[%mul3A_31, %dma_wait3A_40] : memref<10112x128xf32, #tpu.memory_space<vmem_shared>> -> memref<632x128xf32, #tpu.memory_space<vmem_shared>>
      tpu.wait_dma2 semaphore(%run_scoped3A : memref<!tpu.dma_semaphore, #tpu.memory_space<semaphore_mem>>) src(%dma_wait3A_41 : memref<632x128xf32, #tpu.memory_space<vmem_shared>>) dst(%dma_wait3A_39 : memref<632x128xf32, #tpu.memory_space<hbm>>)
      tpu.yield
    }) : () -> ()
    return
  }
}

module attributes {stable_mosaic.version = 14 : i64} {
  func.func @_edge_proj_body(%arg0: i32, %arg1: memref<4000x16xf32, #tpu.memory_space<vmem>>, %arg2: memref<16x128xf32, #tpu.memory_space<vmem>>, %arg3: memref<4000x128xf32, #tpu.memory_space<vmem>>) attributes {dimension_semantics = [#tpu.dimension_semantics<arbitrary>], iteration_bounds = array<i64: 80>, scalar_prefetch = 0 : i64, scratch_operands = 0 : i64, tpu.core_type = #tpu.core_type<tc>, window_params = [{transform_indices = @transform_0, window_bounds = array<i64: 4000, 16>}, {pipeline_mode = #tpu.pipeline_mode<synchronous>, transform_indices = @transform_1, window_bounds = array<i64: 16, 128>}, {transform_indices = @transform_2, window_bounds = array<i64: 4000, 128>}]} {
    %get3A = arith.constant 0 : index
    %get3A_0 = arith.constant 0 : index
    %get3A_1 = vector.load %arg1[%get3A, %get3A_0] : memref<4000x16xf32, #tpu.memory_space<vmem>>, vector<4000x16xf32>
    %get3A_2 = arith.constant 0 : index
    %get3A_3 = arith.constant 0 : index
    %get3A_4 = vector.load %arg2[%get3A_2, %get3A_3] : memref<16x128xf32, #tpu.memory_space<vmem>>, vector<16x128xf32>
    %dot_general3A = arith.constant dense<0.000000e+00> : vector<4000x128xf32>
    %dot_general3A_5 = tpu.matmul %get3A_1, %get3A_4, %dot_general3A {dimension_numbers = #tpu.dot_dimension_numbers<[1], [0], [0], [1], [0, 0, 1, 1], [], []>, transpose_lhs_hint = false} : vector<4000x16xf32>, vector<16x128xf32>, vector<4000x128xf32> -> vector<4000x128xf32>
    %swap3A = arith.constant 0 : index
    %swap3A_6 = arith.constant 0 : index
    %swap3A_7 = vector.load %arg3[%swap3A, %swap3A_6] : memref<4000x128xf32, #tpu.memory_space<vmem>>, vector<4000x128xf32>
    tpu.vector_store %arg3[%swap3A, %swap3A_6], %dot_general3A_5 {strides = array<i32>} : memref<4000x128xf32, #tpu.memory_space<vmem>>, vector<4000x128xf32>,
    return
  }
  func.func @transform_0(%arg0: i32) -> (i32, i32) {
    %c0_i32 = arith.constant 0 : i32
    %c0_i32_0 = arith.constant 0 : i32
    return %arg0, %c0_i32 : i32, i32
  }
  func.func @transform_1(%arg0: i32) -> (i32, i32) {
    %c0_i32 = arith.constant 0 : i32
    %c0_i32_0 = arith.constant 0 : i32
    %c0_i32_1 = arith.constant 0 : i32
    return %c0_i32, %c0_i32_0 : i32, i32
  }
  func.func @transform_2(%arg0: i32) -> (i32, i32) {
    %c0_i32 = arith.constant 0 : i32
    %c0_i32_0 = arith.constant 0 : i32
    return %arg0, %c0_i32 : i32, i32
  }
}

module attributes {stable_mosaic.version = 14 : i64} {
  func.func @_node_proj_body(%arg0: i32, %arg1: memref<2000x128xf32, #tpu.memory_space<vmem>>, %arg2: memref<272x128xf32, #tpu.memory_space<vmem>>, %arg3: memref<1x128xf32, #tpu.memory_space<vmem>>, %arg4: memref<2000x128xf32, #tpu.memory_space<vmem>>, %arg5: memref<2000x128xf32, #tpu.memory_space<vmem>>) attributes {dimension_semantics = [#tpu.dimension_semantics<arbitrary>], iteration_bounds = array<i64: 5>, scalar_prefetch = 0 : i64, scratch_operands = 0 : i64, tpu.core_type = #tpu.core_type<tc>, window_params = [{transform_indices = @transform_0, window_bounds = array<i64: 2000, 128>}, {pipeline_mode = #tpu.pipeline_mode<synchronous>, transform_indices = @transform_1, window_bounds = array<i64: 272, 128>}, {pipeline_mode = #tpu.pipeline_mode<synchronous>, transform_indices = @transform_2, window_bounds = array<i64: 1, 128>}, {transform_indices = @transform_3, window_bounds = array<i64: 2000, 128>}, {transform_indices = @transform_4, window_bounds = array<i64: 2000, 128>}]} {
    %get3A = arith.constant 0 : index
    %get3A_0 = arith.constant 0 : index
    %get3A_1 = vector.load %arg1[%get3A, %get3A_0] : memref<2000x128xf32, #tpu.memory_space<vmem>>, vector<2000x128xf32>
    %get3A_2 = arith.constant 0 : index
    %get3A_3 = arith.constant 0 : index
    %get3A_4 = vector.load %arg2[%get3A_2, %get3A_3] : memref<272x128xf32, #tpu.memory_space<vmem>>, vector<128x128xf32>
    %dot_general3A = arith.constant dense<0.000000e+00> : vector<2000x128xf32>
    %dot_general3A_5 = tpu.matmul %get3A_1, %get3A_4, %dot_general3A {dimension_numbers = #tpu.dot_dimension_numbers<[1], [0], [0], [1], [0, 0, 1, 1], [], []>, transpose_lhs_hint = false} : vector<2000x128xf32>, vector<128x128xf32>, vector<2000x128xf32> -> vector<2000x128xf32>
    %get3A_6 = arith.constant 0 : index
    %get3A_7 = arith.constant 0 : index
    %get3A_8 = vector.load %arg3[%get3A_6, %get3A_7] : memref<1x128xf32, #tpu.memory_space<vmem>>, vector<1x128xf32>
    %add3A = vector.broadcast %get3A_8 : vector<1x128xf32> to vector<2000x128xf32>
    %add3A_9 = arith.addf %dot_general3A_5, %add3A : vector<2000x128xf32>
    %swap3A = arith.constant 0 : index
    %swap3A_10 = arith.constant 0 : index
    %swap3A_11 = vector.load %arg4[%swap3A, %swap3A_10] : memref<2000x128xf32, #tpu.memory_space<vmem>>, vector<2000x128xf32>
    tpu.vector_store %arg4[%swap3A, %swap3A_10], %add3A_9 {strides = array<i32>} : memref<2000x128xf32, #tpu.memory_space<vmem>>, vector<2000x128xf32>,
    %get3A_12 = arith.constant 128 : index
    %get3A_13 = arith.constant 0 : index
    %get3A_14 = vector.load %arg2[%get3A_12, %get3A_13] : memref<272x128xf32, #tpu.memory_space<vmem>>, vector<128x128xf32>
    %dot_general3A_15 = arith.constant dense<0.000000e+00> : vector<2000x128xf32>
    %dot_general3A_16 = tpu.matmul %get3A_1, %get3A_14, %dot_general3A_15 {dimension_numbers = #tpu.dot_dimension_numbers<[1], [0], [0], [1], [0, 0, 1, 1], [], []>, transpose_lhs_hint = false} : vector<2000x128xf32>, vector<128x128xf32>, vector<2000x128xf32> -> vector<2000x128xf32>
    %swap3A_17 = arith.constant 0 : index
    %swap3A_18 = arith.constant 0 : index
    %swap3A_19 = vector.load %arg5[%swap3A_17, %swap3A_18] : memref<2000x128xf32, #tpu.memory_space<vmem>>, vector<2000x128xf32>
    tpu.vector_store %arg5[%swap3A_17, %swap3A_18], %dot_general3A_16 {strides = array<i32>} : memref<2000x128xf32, #tpu.memory_space<vmem>>, vector<2000x128xf32>,
    return
  }
  func.func @transform_0(%arg0: i32) -> (i32, i32) {
    %c0_i32 = arith.constant 0 : i32
    %c0_i32_0 = arith.constant 0 : i32
    return %arg0, %c0_i32 : i32, i32
  }
  func.func @transform_1(%arg0: i32) -> (i32, i32) {
    %c0_i32 = arith.constant 0 : i32
    %c0_i32_0 = arith.constant 0 : i32
    %c0_i32_1 = arith.constant 0 : i32
    return %c0_i32, %c0_i32_0 : i32, i32
  }
  func.func @transform_2(%arg0: i32) -> (i32, i32) {
    %c0_i32 = arith.constant 0 : i32
    %c0_i32_0 = arith.constant 0 : i32
    %c0_i32_1 = arith.constant 0 : i32
    return %c0_i32, %c0_i32_0 : i32, i32
  }
  func.func @transform_3(%arg0: i32) -> (i32, i32) {
    %c0_i32 = arith.constant 0 : i32
    %c0_i32_0 = arith.constant 0 : i32
    return %arg0, %c0_i32 : i32, i32
  }
  func.func @transform_4(%arg0: i32) -> (i32, i32) {
    %c0_i32 = arith.constant 0 : i32
    %c0_i32_0 = arith.constant 0 : i32
    return %arg0, %c0_i32 : i32, i32
  }
}

module attributes {stable_mosaic.version = 14 : i64} {
  func.func @_post_body(%arg0: memref<2x10112x128xf32, #tpu.memory_space<vmem>>, %arg1: memref<2x10112x128xf32, #tpu.memory_space<vmem>>, %arg2: memref<128x128xf32, #tpu.memory_space<vmem>>, %arg3: memref<1x128xf32, #tpu.memory_space<vmem>>, %arg4: memref<1x128xf32, #tpu.memory_space<vmem>>, %arg5: memref<1x128xf32, #tpu.memory_space<vmem>>, %arg6: memref<10000x128xf32, #tpu.memory_space<vmem>>) attributes {dimension_semantics = [], scalar_prefetch = 0 : i64, scratch_operands = 0 : i64, tpu.core_type = #tpu.core_type<tc>} {
    %get3A = arith.constant 0 : index
    %get3A_0 = arith.constant 0 : index
    %get3A_1 = arith.constant 0 : index
    %get3A_2 = vector.load %arg0[%get3A, %get3A_0, %get3A_1] : memref<2x10112x128xf32, #tpu.memory_space<vmem>>, vector<1x10000x128xf32>
    %get3A_3 = vector.shape_cast %get3A_2 : vector<1x10000x128xf32> to vector<10000x128xf32>
    %get3A_4 = arith.constant 1 : index
    %get3A_5 = arith.constant 0 : index
    %get3A_6 = arith.constant 0 : index
    %get3A_7 = vector.load %arg0[%get3A_4, %get3A_5, %get3A_6] : memref<2x10112x128xf32, #tpu.memory_space<vmem>>, vector<1x10000x128xf32>
    %get3A_8 = vector.shape_cast %get3A_7 : vector<1x10000x128xf32> to vector<10000x128xf32>
    %add3A = arith.addf %get3A_3, %get3A_8 : vector<10000x128xf32>
    %get3A_9 = arith.constant 0 : index
    %get3A_10 = arith.constant 0 : index
    %get3A_11 = arith.constant 0 : index
    %get3A_12 = vector.load %arg1[%get3A_9, %get3A_10, %get3A_11] : memref<2x10112x128xf32, #tpu.memory_space<vmem>>, vector<1x10000x1xf32>
    %get3A_13 = vector.shape_cast %get3A_12 : vector<1x10000x1xf32> to vector<10000x1xf32>
    %get3A_14 = arith.constant 1 : index
    %get3A_15 = arith.constant 0 : index
    %get3A_16 = arith.constant 0 : index
    %get3A_17 = vector.load %arg1[%get3A_14, %get3A_15, %get3A_16] : memref<2x10112x128xf32, #tpu.memory_space<vmem>>, vector<1x10000x1xf32>
    %get3A_18 = vector.shape_cast %get3A_17 : vector<1x10000x1xf32> to vector<10000x1xf32>
    %add3A_19 = arith.addf %get3A_13, %get3A_18 : vector<10000x1xf32>
    %get3A_20 = arith.constant 0 : index
    %get3A_21 = arith.constant 0 : index
    %get3A_22 = vector.load %arg2[%get3A_20, %get3A_21] : memref<128x128xf32, #tpu.memory_space<vmem>>, vector<128x128xf32>
    %dot_general3A = arith.constant dense<0.000000e+00> : vector<10000x128xf32>
    %dot_general3A_23 = tpu.matmul %add3A, %get3A_22, %dot_general3A {dimension_numbers = #tpu.dot_dimension_numbers<[1], [0], [0], [1], [0, 0, 1, 1], [], []>, transpose_lhs_hint = false} : vector<10000x128xf32>, vector<128x128xf32>, vector<10000x128xf32> -> vector<10000x128xf32>
    %get3A_24 = arith.constant 0 : index
    %get3A_25 = arith.constant 0 : index
    %get3A_26 = vector.load %arg3[%get3A_24, %get3A_25] : memref<1x128xf32, #tpu.memory_space<vmem>>, vector<1x128xf32>
    %mul3A = vector.broadcast %add3A_19 : vector<10000x1xf32> to vector<10000x128xf32>
    %mul3A_27 = vector.broadcast %get3A_26 : vector<1x128xf32> to vector<10000x128xf32>
    %mul3A_28 = arith.mulf %mul3A, %mul3A_27 : vector<10000x128xf32>
    %add3A_29 = arith.addf %dot_general3A_23, %mul3A_28 : vector<10000x128xf32>
    %max3A = arith.constant 1.000000e+00 : f32
    %max3A_30 = vector.broadcast %max3A : f32 to vector<10000x1xf32>
    %max3A_31 = arith.maximumf %add3A_19, %max3A_30 : vector<10000x1xf32>
    %div3A = vector.broadcast %max3A_31 : vector<10000x1xf32> to vector<10000x128xf32>
    %div3A_32 = arith.divf %add3A_29, %div3A : vector<10000x128xf32>
    %reduce_sum3A = arith.constant dense<0.000000e+00> : vector<128xf32>
    %reduce_sum3A_33 = vector.multi_reduction <add>, %div3A_32, %reduce_sum3A [0] : vector<10000x128xf32> to vector<128xf32>
    %broadcast_in_dim3A = vector.shape_cast %reduce_sum3A_33 : vector<128xf32> to vector<1x128xf32>
    %div3A_34 = arith.constant 1.000000e+04 : f32
    %div3A_35 = vector.broadcast %div3A_34 : f32 to vector<1x128xf32>
    %div3A_36 = arith.divf %broadcast_in_dim3A, %div3A_35 : vector<1x128xf32>
    %sub3A = vector.broadcast %div3A_36 : vector<1x128xf32> to vector<10000x128xf32>
    %sub3A_37 = arith.subf %div3A_32, %sub3A : vector<10000x128xf32>
    %integer_pow3A = arith.mulf %sub3A_37, %sub3A_37 : vector<10000x128xf32>
    %reduce_sum3A_38 = arith.constant dense<0.000000e+00> : vector<128xf32>
    %reduce_sum3A_39 = vector.multi_reduction <add>, %integer_pow3A, %reduce_sum3A_38 [0] : vector<10000x128xf32> to vector<128xf32>
    %broadcast_in_dim3A_40 = vector.shape_cast %reduce_sum3A_39 : vector<128xf32> to vector<1x128xf32>
    %div3A_41 = arith.constant 1.000000e+04 : f32
    %div3A_42 = vector.broadcast %div3A_41 : f32 to vector<1x128xf32>
    %div3A_43 = arith.divf %broadcast_in_dim3A_40, %div3A_42 : vector<1x128xf32>
    %sub3A_44 = vector.broadcast %div3A_36 : vector<1x128xf32> to vector<10000x128xf32>
    %sub3A_45 = arith.subf %div3A_32, %sub3A_44 : vector<10000x128xf32>
    %add3A_46 = arith.constant 9.99999974E-6 : f32
    %add3A_47 = vector.broadcast %add3A_46 : f32 to vector<1x128xf32>
    %add3A_48 = arith.addf %div3A_43, %add3A_47 : vector<1x128xf32>
    %rsqrt3A = math.rsqrt %add3A_48 : vector<1x128xf32>
    %mul3A_49 = vector.broadcast %rsqrt3A : vector<1x128xf32> to vector<10000x128xf32>
    %mul3A_50 = arith.mulf %sub3A_45, %mul3A_49 : vector<10000x128xf32>
    %get3A_51 = arith.constant 0 : index
    %get3A_52 = arith.constant 0 : index
    %get3A_53 = vector.load %arg4[%get3A_51, %get3A_52] : memref<1x128xf32, #tpu.memory_space<vmem>>, vector<1x128xf32>
    %mul3A_54 = vector.broadcast %get3A_53 : vector<1x128xf32> to vector<10000x128xf32>
    %mul3A_55 = arith.mulf %mul3A_50, %mul3A_54 : vector<10000x128xf32>
    %get3A_56 = arith.constant 0 : index
    %get3A_57 = arith.constant 0 : index
    %get3A_58 = vector.load %arg5[%get3A_56, %get3A_57] : memref<1x128xf32, #tpu.memory_space<vmem>>, vector<1x128xf32>
    %add3A_59 = vector.broadcast %get3A_58 : vector<1x128xf32> to vector<10000x128xf32>
    %add3A_60 = arith.addf %mul3A_55, %add3A_59 : vector<10000x128xf32>
    %max3A_61 = arith.constant 0.000000e+00 : f32
    %max3A_62 = vector.broadcast %max3A_61 : f32 to vector<10000x128xf32>
    %max3A_63 = arith.maximumf %add3A_60, %max3A_62 : vector<10000x128xf32>
    %swap3A = arith.constant 0 : index
    %swap3A_64 = arith.constant 0 : index
    %swap3A_65 = vector.load %arg6[%swap3A, %swap3A_64] : memref<10000x128xf32, #tpu.memory_space<vmem>>, vector<10000x128xf32>
    tpu.vector_store %arg6[%swap3A, %swap3A_64], %max3A_63 {strides = array<i32>} : memref<10000x128xf32, #tpu.memory_space<vmem>>, vector<10000x128xf32>,
    return
  }
}

module attributes {stable_mosaic.version = 14 : i64} {
  func.func @_post_final_body(%arg0: memref<2x10112x128xf32, #tpu.memory_space<vmem>>, %arg1: memref<2x10112x128xf32, #tpu.memory_space<vmem>>, %arg2: memref<128x128xf32, #tpu.memory_space<vmem>>, %arg3: memref<1x128xf32, #tpu.memory_space<vmem>>, %arg4: memref<1x128xf32, #tpu.memory_space<vmem>>, %arg5: memref<1x128xf32, #tpu.memory_space<vmem>>, %arg6: memref<128x4xf32, #tpu.memory_space<vmem>>, %arg7: memref<1x4xf32, #tpu.memory_space<vmem>>, %arg8: memref<10000x4xf32, #tpu.memory_space<vmem>>) attributes {dimension_semantics = [], scalar_prefetch = 0 : i64, scratch_operands = 0 : i64, tpu.core_type = #tpu.core_type<tc>} {
    %get3A = arith.constant 0 : index
    %get3A_0 = arith.constant 0 : index
    %get3A_1 = arith.constant 0 : index
    %get3A_2 = vector.load %arg0[%get3A, %get3A_0, %get3A_1] : memref<2x10112x128xf32, #tpu.memory_space<vmem>>, vector<1x10000x128xf32>
    %get3A_3 = vector.shape_cast %get3A_2 : vector<1x10000x128xf32> to vector<10000x128xf32>
    %get3A_4 = arith.constant 1 : index
    %get3A_5 = arith.constant 0 : index
    %get3A_6 = arith.constant 0 : index
    %get3A_7 = vector.load %arg0[%get3A_4, %get3A_5, %get3A_6] : memref<2x10112x128xf32, #tpu.memory_space<vmem>>, vector<1x10000x128xf32>
    %get3A_8 = vector.shape_cast %get3A_7 : vector<1x10000x128xf32> to vector<10000x128xf32>
    %add3A = arith.addf %get3A_3, %get3A_8 : vector<10000x128xf32>
    %get3A_9 = arith.constant 0 : index
    %get3A_10 = arith.constant 0 : index
    %get3A_11 = arith.constant 0 : index
    %get3A_12 = vector.load %arg1[%get3A_9, %get3A_10, %get3A_11] : memref<2x10112x128xf32, #tpu.memory_space<vmem>>, vector<1x10000x1xf32>
    %get3A_13 = vector.shape_cast %get3A_12 : vector<1x10000x1xf32> to vector<10000x1xf32>
    %get3A_14 = arith.constant 1 : index
    %get3A_15 = arith.constant 0 : index
    %get3A_16 = arith.constant 0 : index
    %get3A_17 = vector.load %arg1[%get3A_14, %get3A_15, %get3A_16] : memref<2x10112x128xf32, #tpu.memory_space<vmem>>, vector<1x10000x1xf32>
    %get3A_18 = vector.shape_cast %get3A_17 : vector<1x10000x1xf32> to vector<10000x1xf32>
    %add3A_19 = arith.addf %get3A_13, %get3A_18 : vector<10000x1xf32>
    %get3A_20 = arith.constant 0 : index
    %get3A_21 = arith.constant 0 : index
    %get3A_22 = vector.load %arg2[%get3A_20, %get3A_21] : memref<128x128xf32, #tpu.memory_space<vmem>>, vector<128x128xf32>
    %dot_general3A = arith.constant dense<0.000000e+00> : vector<10000x128xf32>
    %dot_general3A_23 = tpu.matmul %add3A, %get3A_22, %dot_general3A {dimension_numbers = #tpu.dot_dimension_numbers<[1], [0], [0], [1], [0, 0, 1, 1], [], []>, transpose_lhs_hint = false} : vector<10000x128xf32>, vector<128x128xf32>, vector<10000x128xf32> -> vector<10000x128xf32>
    %get3A_24 = arith.constant 0 : index
    %get3A_25 = arith.constant 0 : index
    %get3A_26 = vector.load %arg3[%get3A_24, %get3A_25] : memref<1x128xf32, #tpu.memory_space<vmem>>, vector<1x128xf32>
    %mul3A = vector.broadcast %add3A_19 : vector<10000x1xf32> to vector<10000x128xf32>
    %mul3A_27 = vector.broadcast %get3A_26 : vector<1x128xf32> to vector<10000x128xf32>
    %mul3A_28 = arith.mulf %mul3A, %mul3A_27 : vector<10000x128xf32>
    %add3A_29 = arith.addf %dot_general3A_23, %mul3A_28 : vector<10000x128xf32>
    %max3A = arith.constant 1.000000e+00 : f32
    %max3A_30 = vector.broadcast %max3A : f32 to vector<10000x1xf32>
    %max3A_31 = arith.maximumf %add3A_19, %max3A_30 : vector<10000x1xf32>
    %div3A = vector.broadcast %max3A_31 : vector<10000x1xf32> to vector<10000x128xf32>
    %div3A_32 = arith.divf %add3A_29, %div3A : vector<10000x128xf32>
    %reduce_sum3A = arith.constant dense<0.000000e+00> : vector<128xf32>
    %reduce_sum3A_33 = vector.multi_reduction <add>, %div3A_32, %reduce_sum3A [0] : vector<10000x128xf32> to vector<128xf32>
    %broadcast_in_dim3A = vector.shape_cast %reduce_sum3A_33 : vector<128xf32> to vector<1x128xf32>
    %div3A_34 = arith.constant 1.000000e+04 : f32
    %div3A_35 = vector.broadcast %div3A_34 : f32 to vector<1x128xf32>
    %div3A_36 = arith.divf %broadcast_in_dim3A, %div3A_35 : vector<1x128xf32>
    %sub3A = vector.broadcast %div3A_36 : vector<1x128xf32> to vector<10000x128xf32>
    %sub3A_37 = arith.subf %div3A_32, %sub3A : vector<10000x128xf32>
    %integer_pow3A = arith.mulf %sub3A_37, %sub3A_37 : vector<10000x128xf32>
    %reduce_sum3A_38 = arith.constant dense<0.000000e+00> : vector<128xf32>
    %reduce_sum3A_39 = vector.multi_reduction <add>, %integer_pow3A, %reduce_sum3A_38 [0] : vector<10000x128xf32> to vector<128xf32>
    %broadcast_in_dim3A_40 = vector.shape_cast %reduce_sum3A_39 : vector<128xf32> to vector<1x128xf32>
    %div3A_41 = arith.constant 1.000000e+04 : f32
    %div3A_42 = vector.broadcast %div3A_41 : f32 to vector<1x128xf32>
    %div3A_43 = arith.divf %broadcast_in_dim3A_40, %div3A_42 : vector<1x128xf32>
    %sub3A_44 = vector.broadcast %div3A_36 : vector<1x128xf32> to vector<10000x128xf32>
    %sub3A_45 = arith.subf %div3A_32, %sub3A_44 : vector<10000x128xf32>
    %add3A_46 = arith.constant 9.99999974E-6 : f32
    %add3A_47 = vector.broadcast %add3A_46 : f32 to vector<1x128xf32>
    %add3A_48 = arith.addf %div3A_43, %add3A_47 : vector<1x128xf32>
    %rsqrt3A = math.rsqrt %add3A_48 : vector<1x128xf32>
    %mul3A_49 = vector.broadcast %rsqrt3A : vector<1x128xf32> to vector<10000x128xf32>
    %mul3A_50 = arith.mulf %sub3A_45, %mul3A_49 : vector<10000x128xf32>
    %get3A_51 = arith.constant 0 : index
    %get3A_52 = arith.constant 0 : index
    %get3A_53 = vector.load %arg4[%get3A_51, %get3A_52] : memref<1x128xf32, #tpu.memory_space<vmem>>, vector<1x128xf32>
    %mul3A_54 = vector.broadcast %get3A_53 : vector<1x128xf32> to vector<10000x128xf32>
    %mul3A_55 = arith.mulf %mul3A_50, %mul3A_54 : vector<10000x128xf32>
    %get3A_56 = arith.constant 0 : index
    %get3A_57 = arith.constant 0 : index
    %get3A_58 = vector.load %arg5[%get3A_56, %get3A_57] : memref<1x128xf32, #tpu.memory_space<vmem>>, vector<1x128xf32>
    %add3A_59 = vector.broadcast %get3A_58 : vector<1x128xf32> to vector<10000x128xf32>
    %add3A_60 = arith.addf %mul3A_55, %add3A_59 : vector<10000x128xf32>
    %max3A_61 = arith.constant 0.000000e+00 : f32
    %max3A_62 = vector.broadcast %max3A_61 : f32 to vector<10000x128xf32>
    %max3A_63 = arith.maximumf %add3A_60, %max3A_62 : vector<10000x128xf32>
    %get3A_64 = arith.constant 0 : index
    %get3A_65 = arith.constant 0 : index
    %get3A_66 = vector.load %arg6[%get3A_64, %get3A_65] : memref<128x4xf32, #tpu.memory_space<vmem>>, vector<128x4xf32>
    %dot_general3A_67 = arith.constant dense<0.000000e+00> : vector<10000x4xf32>
    %dot_general3A_68 = tpu.matmul %max3A_63, %get3A_66, %dot_general3A_67 {dimension_numbers = #tpu.dot_dimension_numbers<[1], [0], [0], [1], [0, 0, 1, 1], [], []>, transpose_lhs_hint = false} : vector<10000x128xf32>, vector<128x4xf32>, vector<10000x4xf32> -> vector<10000x4xf32>
    %get3A_69 = arith.constant 0 : index
    %get3A_70 = arith.constant 0 : index
    %get3A_71 = vector.load %arg7[%get3A_69, %get3A_70] : memref<1x4xf32, #tpu.memory_space<vmem>>, vector<1x4xf32>
    %add3A_72 = vector.broadcast %get3A_71 : vector<1x4xf32> to vector<10000x4xf32>
    %add3A_73 = arith.addf %dot_general3A_68, %add3A_72 : vector<10000x4xf32>
    %swap3A = arith.constant 0 : index
    %swap3A_74 = arith.constant 0 : index
    %swap3A_75 = vector.load %arg8[%swap3A, %swap3A_74] : memref<10000x4xf32, #tpu.memory_space<vmem>>, vector<10000x4xf32>
    tpu.vector_store %arg8[%swap3A, %swap3A_74], %add3A_73 {strides = array<i32>} : memref<10000x4xf32, #tpu.memory_space<vmem>>, vector<10000x4xf32>,
    return
  }
}

</mosaic_0001>

<sc_bundles>
// kernel: kernel.10.cloned.1.call-start
scs
__scs_entry_jumppad:
0x0: {  	(pc) =	sbr.rel $0x88, $3  }
0x1: {  	(tag) =	ssettag $0x0;
	lr =	simm.s32 $0x1  }
0x2: {  	[smem:$0x3F90] =	sst lr;
	_ =	strace $0xD0000000  }
0x3: {  	_ = 	snop  }
0x4: {  	_ = 	snop  }
0x5: {  	_ = 	snop  }
0x6: {  	_ = 	snop  }
0x7: {  	_ = 	snop  }
__scs_overlays_trampoline_lowered:
0x8: {  	[smem:$0x3F9F] =	sst s0  }
0x9: {  	[smem:$0x3FA0] =	sst s1  }
0xa: {  	[smem:$0x3FA1] =	sst s2  }
0xb: {  	[smem:$0x3FA2] =	sst s3  }
0xc: {  	[smem:$0x3FA3] =	sst s4  }
0xd: {  	[smem:$0x3FA4] =	sst s5  }
0xe: {  	[smem:$0x3FA5] =	sst s6  }
0xf: {  	[smem:$0x3FA6] =	sst s7  }
0x10: {  	[smem:$0x3FA7] =	sst s8  }
0x11: {  	[smem:$0x3FA8] =	sst s9;
	s0 =	simm.s32 @!p0 $0x0  }
0x12: {  	s1 =	sld [smem:$0x3F8E];
	s0 =	simm.s32 @p0 $0x1  }
0x13: {  	[smem:$0x3FA9] =	sst s0;
	s0 =	simm.s32 @!p1 $0x0  }
0x14: {  	s2 =	sld [smem:$0x3F8D];
	s0 =	simm.s32 @p1 $0x1  }
0x15: {  	[smem:$0x3FAA] =	sst s0;
	s0 =	simm.s32 @!p2 $0x0  }
0x16: {  	s3 =	sld [smem:$0x3FDB];
	s0 =	simm.s32 @p2 $0x1  }
0x17: {  	s4 =	simm.s32 $0x1BF5;
	[smem:$0x3FAC] =	sst s0  }
0x18: {  	s0 =	sld [smem:$0x3F8F];
	_ =	swait.ge [sflag:s4], $0x0  }
0x19: {  	s7 =	sld [smem:$0x3F90]  }
0x1a: {  	s8 =	sadd.s32 $0xFFFFE003, lr  }
0x1b: {  	s9 =	sadd.s32 $0xFFFFFEF7, lr;
	s5 =	simm.s32 $0xFFFFFFFF;
	p2 =	slt.u32 s8, $0xFFFFF086  }
0x1c: {  	p1 =	slt.u32 s9, $0xF7A;
	s5 =	simm.s32 @!p2 $0x0  }
0x1d: {  	s5 =	simm.s32 @p1 $0x1;
	p0 =	seq.s32 s7, s2  }
0x1e: {  	s7 =	smul.u32 @!p0 $0xF7A, s2;
	p2 =	seq.s32 @!p0 s5, $0x0  }
0x1f: {  	s9 =	smul.u32 $0xF7A, s1;
	s8 =	simm.s32 @!p0 $0x1BF5;
	p2 =	por !p2, p0  }
0x20: {  	[sflag:s8] =	ssyncset.s32 @!p0 $0xFFFFF086;
	s6 =	sadd.s32 @!p0 s3, s7;
	s7 =	simm.s32 @!p0 $0x108  }
0x21: {  	s3 =	sadd.s32 s3, s9;
	s6 =	sadd.s32 @!p0 $0x88, s6;
	s7 =	simm.s32 @p2 $0x1082  }
0x22: {  	[simem:s7], [sflag:s8] =	dma.local @!p0 [hbm:s6], $0xF7A  }
0x23: {  	s9 =	sor.u32 $0xD0000000, s2;
	s6 =	simm.s32 $0x108;
	_ =	swait.ge @!p0 [sflag:s8], $0x0  }
0x24: {  	s3 =	sadd.s32 $0x88, s3;
	s6 =	simm.s32 @!p1 $0x1082;
	[sflag:s4] =	ssyncset.s32 $0xFFFFF086  }
0x25: {  	[simem:s6], [sflag:s4] =	dma.local [hbm:s3], $0xF7A  }
0x26: {  	[smem:$0x3F90] =	sst s1;
	(tag) =	ssettag s2;
	_ =	strace s9  }
0x27: {  	s1 =	sld [smem:$0x3FA0]  }
0x28: {  	s2 =	sld [smem:$0x3FA1]  }
0x29: {  	s4 =	sld [smem:$0x3FA3]  }
0x2a: {  	p0 =	seq.s32 s5, $0x0;
	s5 =	sld [smem:$0x3FA4]  }
0x2b: {  	s6 =	sld [smem:$0x3FA5]  }
0x2c: {  	s7 =	sld [smem:$0x3FA6]  }
0x2d: {  	s3 =	simm.s32 $0x108;
	s8 =	sld [smem:$0x3FA7]  }
0x2e: {  	s3 =	simm.s32 @!p0 $0x1082;
	s9 =	sld [smem:$0x3FA8]  }
0x2f: {  	lr =	sadd.s32 s0, s3;
	s0 =	sld [smem:$0x3F9F]  }
0x30: {  	s3 =	sld [smem:$0x3FA2]  }
0x31: {  	[smem:$0x3FAB] =	sst s10  }
0x32: {  	s10 =	sld [smem:$0x3FA9];
	_ =	sdelay $0x3  }
0x33: {  	p0 =	seq.s32 s10, $0x1;
	s10 =	sld [smem:$0x3FAB];
	_ =	sdelay $0x3  }
0x34: {  	[smem:$0x3FAB] =	sst s10  }
0x35: {  	s10 =	sld [smem:$0x3FAA];
	_ =	sdelay $0x3  }
0x36: {  	p1 =	seq.s32 s10, $0x1;
	s10 =	sld [smem:$0x3FAB];
	_ =	sdelay $0x3  }
0x37: {  	[smem:$0x3FAB] =	sst s10  }
0x38: {  	s10 =	sld [smem:$0x3FAC]  }
0x39: {  	_ = 	snop;
	(pc) =	sbr.ind lr, $3  }
0x3a: {  	_ = 	snop  }
0x3b: {  	_ = 	snop  }
0x3c: {  	p2 =	seq.s32 s10, $0x1;
	s10 =	sld [smem:$0x3FAB]  }
0x3d: {  	_ =	shalt  }
0x3e: {  	_ =	shalt  }
0x3f: {  	_ =	shalt  }
0x40: {  	_ =	shalt  }
0x41: {  	_ =	shalt  }
0x42: {  	_ =	shalt  }
0x43: {  	_ =	shalt  }
0x44: {  	_ =	shalt  }
0x45: {  	_ =	shalt  }
0x46: {  	_ =	shalt  }
0x47: {  	_ =	shalt  }
0x48: {  	_ =	shalt  }
0x49: {  	_ =	shalt  }
0x4a: {  	_ =	shalt  }
0x4b: {  	_ =	shalt  }
0x4c: {  	_ =	shalt  }
0x4d: {  	_ =	shalt  }
0x4e: {  	_ =	shalt  }
0x4f: {  	_ =	shalt  }
0x50: {  	_ =	shalt  }
0x51: {  	_ =	shalt  }
0x52: {  	_ =	shalt  }
0x53: {  	_ =	shalt  }
0x54: {  	_ =	shalt  }
0x55: {  	_ =	shalt  }
0x56: {  	_ =	shalt  }
0x57: {  	_ =	shalt  }
0x58: {  	_ =	shalt  }
0x59: {  	_ =	shalt  }
0x5a: {  	_ =	shalt  }
0x5b: {  	_ =	shalt  }
0x5c: {  	_ =	shalt  }
0x5d: {  	_ =	shalt  }
0x5e: {  	_ =	shalt  }
0x5f: {  	_ =	shalt  }
0x60: {  	_ =	shalt  }
0x61: {  	_ =	shalt  }
0x62: {  	_ =	shalt  }
0x63: {  	_ =	shalt  }
0x64: {  	_ =	shalt  }
0x65: {  	_ =	shalt  }
0x66: {  	_ =	shalt  }
0x67: {  	_ =	shalt  }
0x68: {  	_ =	shalt  }
0x69: {  	_ =	shalt  }
0x6a: {  	_ =	shalt  }
0x6b: {  	_ =	shalt  }
0x6c: {  	_ =	shalt  }
0x6d: {  	_ =	shalt  }
0x6e: {  	_ =	shalt  }
0x6f: {  	_ =	shalt  }
0x70: {  	_ =	shalt  }
0x71: {  	_ =	shalt  }
0x72: {  	_ =	shalt  }
0x73: {  	_ =	shalt  }
0x74: {  	_ =	shalt  }
0x75: {  	_ =	shalt  }
0x76: {  	_ =	shalt  }
0x77: {  	_ =	shalt  }
0x78: {  	_ =	shalt  }
0x79: {  	_ =	shalt  }
0x7a: {  	_ =	shalt  }
0x7b: {  	_ =	shalt  }
0x7c: {  	_ =	shalt  }
0x7d: {  	_ =	shalt  }
0x7e: {  	_ =	shalt  }
0x7f: {  	_ =	shalt  }
0x80: {  	_ =	shalt  }
0x81: {  	_ =	shalt  }
0x82: {  	_ =	shalt  }
0x83: {  	_ =	shalt  }
0x84: {  	_ =	shalt  }
0x85: {  	_ =	shalt  }
0x86: {  	_ =	shalt  }
0x87: {  	_ =	shalt  }
.Lfunc_end0:
.L_simem_size_0:
called_computation_lowered:
.L_overlay_start_0:
0x88: {  	s2 =	sld [smem:$0x3FD9]  }
0x89: {  	s3 =	sld [smem:$0x3FFE];
	_ =	sdelay $0x1  }
0x8a: {  	s1 =	srdreg.scid  }
0x8b: {  	s0 =	sand.u32 $0x1, s1  }
0x8c: {  	s17 =	sshll.u32 s0, $0xA;
	s2 =	sadd.s32 s3, s2  }
0x8d: {  	s2 =	sadd.s32 s2, s17  }
0x8e: {  	[smem:$0x3FB7] =	sst s2  }
0x8f: {  	_ = 	snop  }
0x90: {  	s2 =	sld [smem:$0x3FD0];
	(tm) =	ssettm $0x1  }
0x91: {  	s18 =	sld [smem:$0x3FFB];
	_ =	sdelay $0x3  }
0x92: {  	_ =	strace s18  }
0x93: {  	s3 =	sld [smem:$0x3FFC];
	_ =	sdelay $0x3  }
0x94: {  	_ =	strace s3  }
0x95: {  	s3 =	sld [smem:$0x3FFD];
	_ =	sdelay $0x3  }
0x96: {  	_ =	strace s3  }
0x97: {  	_ =	strace $0x8FFFFFFF  }
0x98: {  	s19 =	sld [smem:$0x3FDB];
	_ =	sdelay $0x1  }
0x99: {  	s4 =	simm.s32 $_scs_section_size  }
0x9a: {  	s5 =	simm.s32 $_size__tile_overlayer_lowered;
	s6 =	simm.s32 $_tile_overlayer_lowered  }
0x9b: {  	s22 =	simm.s32 $0x1BFF;
	s21 =	sshll.u32 s6, $0x1;
	s3 =	sadd.s32 s4, s19  }
0x9c: {  	s7 =	simm.s32 $0x0;
	s20 =	sshll.u32 s5, $0x1;
	s5 =	sadd.s32 s21, s3  }
0x9d: {  	[timem:s7], [sflag:s22] =	dma.local [hbm:s5], s20  }
0x9e: {  	_ =	swait.ge [sflag:s22], s20  }
0x9f: {  	s4 =	ssub.s32 $0x0, s20;
	[sflag:s22] =	ssyncset.done $0x0  }
0xa0: {  	[sflag:s22] =	ssyncadd.s32 s4;
	_ =	sdelay $0x1  }
0xa1: {  	s23 =	simm.s32 $0x1B8B  }
0xa2: {  	_ =	swait.ge [sflag:s23], $0x1  }
0xa3: {  	[sflag:s23] =	ssyncset.done $0x0  }
0xa4: {  	s25 =	simm.s32 $0x1B8E;
	s24 =	sld [smem:$0x3FFE];
	[sflag:s23] =	ssyncadd.s32 $0xFFFFFFFF  }
0xa5: {  	s26 =	simm.s32 $execute0_lowered;
	[smem:$0x3FD2] =	sst s25  }
0xa6: {  	s5 =	sshll.u32 s26, $0x1;
	_ =	strace $0x80000046;
	[dreg:$0x1] =	wrdreg $0xFFFFFFFF  }
0xa7: {  	s28 =	simm.s32 $_size_execute0_lowered;
	s3 =	sadd.s32 s3, s5;
	[dreg:$0x0] =	wrdreg $0x0  }
0xa8: {  	s5 =	sshll.u32 s28, $0x1;
	[dreg:$0x2] =	wrdreg s3  }
0xa9: {  	[dreg:$0x3] =	wrdreg s5  }
0xaa: {  	[dreg:$0x4] =	wrdreg $0xC0  }
0xab: {  	_ =	task [dreg:s7], $0x5FFFF  }
0xac: {  	[dreg:$0x1] =	wrdreg $0xFFFFFFFF  }
0xad: {  	[dreg:$0x0] =	wrdreg $0x60  }
0xae: {  	[dreg:$0x2] =	wrdreg s24  }
0xaf: {  	[dreg:$0x3] =	wrdreg s2  }
0xb0: {  	[dreg:$0x4] =	wrdreg $0xA1000  }
0xb1: {  	[dreg:$0x5] =	wrdreg $0x9  }
0xb2: {  	_ =	task.clear_ibuf [dreg:s7], $0x6FFFF;
	_ =	strace $0x90000046  }
0xb3: {  	s29 =	simm.s32 $0x9;
	_ =	strace $0x80000048  }
0xb4: {  	_ =	swait.ge [sflag:s29], $0x1  }
0xb5: {  	[sflag:s29] =	ssyncadd.s32 $0xFFFFFFFF  }
0xb6: {  	_ =	strace $0x90000048  }
0xb7: {  	_ =	sfence  }
0xb8: {  	s30 =	sld [smem:$0x0];
	_ =	sdelay $0x2  }
0xb9: {  	s31 =	sshll.u32 s1, $0xD;
	s1 =	sshrl.u32 s1, $0x2  }
0xba: {  	s3 =	sand.u32 $0x4000, s31;
	s1 =	sadd.s32 s1, s30  }
0xbb: {  	s0 =	sor.u32 s3, s0;
	s1 =	sshll.u32 s1, $0x11  }
0xbc: {  	s0 =	sor.u32 s1, s0  }
0xbd: {  	s0 =	sadd.s32 $0x8F2B, s0  }
0xbe: {  	[sflag:s0] =	ssyncadd.remote.s32 $0x1  }
0xbf: {  	_ =	sfence.sel $0xFFFF  }
0xc0: {  	[dreg:$0x0] =	wrdreg $0xFFFFFFFF;
	(pc) =	sbr.abs _section_cstart, $3  }
0xc1: {  	[dreg:$0x1] =	wrdreg $0xFFFFFFFF  }
0xc2: {  	_ =	task.clear_ibuf [dreg:s7], $0x2FFFF;
	_ =	strace $0x9FFFFFFF  }
0xc3: {  	(tm) =	ssettm $0x7FFFFFFF  }
tec
execute0_lowered:
.L_overlay_start_1:
0x0: {  	(tag) =	ssettag $0x1  }
0x1: {  	s0 =	rddreg [dreg:$0x0]  }
0x2: {  	s1 =	rddreg [dreg:$0x1]  }
0x3: {  	s2 =	rddreg [dreg:$0x2];
	s3 =	simm.s32 $0x0  }
0x4: {  	s18 =	stileid.u32;
	s4 =	srdreg.scid;
	s19 =	simm.s32 $0x7900  }
0x5: {  	s20 =	simm.s32 $0x50;
	s21 =	simm.s32 $0x80;
	s22 =	simm.s32 $0x100  }
0x6: {  	s23 =	simm.s32 $0x2900;
	s24 =	simm.s32 $0x5100;
	[smem:$0x7FF] =	sst s3  }
0x7: {  	s28 =	simm.s32 $0x0;
	s5 =	sadd.s32 $0xA02600, s0;
	s6 =	sadd.s32 $0x9DB400, s0  }
0x8: {  	s7 =	sadd.s32 $0x4F9400, s0;
	s10 =	smul.u32 $0x13C00, s18;
	s4 =	sand.u32 $0x1, s4  }
0x9: {  	s8 =	sadd.s32 $0xD600, s0;
	s12 =	sshll.u32 s18, $0x1;
	s14 =	smul.u32 $0x4F000, s18  }
0xa: {  	s9 =	sadd.s32 $0x3800, s0;
	s15 =	smul.u32 $0x4E20, s18;
	s30 =	sshll.u32 s18, $0x6  }
0xb: {  	s18 =	simm.s32 $0x3;
	_ =	strace $0x80000047;
	s11 =	smul.u32 $0x13C000, s4  }
0xc: {  	s12 =	sor.u32 s4, s12;
	s25 =	ssub.s32 $0x2, s4;
	s4 =	smul.u32 $0x2710, s4  }
0xd: {  	s13 =	sshrl.u32 s10, $0x3;
	s26 =	sshrl.u32 s25, $0x1;
	s29 =	sshrl.u32 s14, $0x2  }
0xe: {  	s13 =	sadd.s32 s13, s0;
	s11 =	sadd.s32 s10, s11;
	s10 =	smul.u32 $0x2710, s12  }
0xf: {  	s16 =	ssub.s32 s25, s26;
	s17 =	sadd.s32 s29, s2;
	s12 =	sor.u32 $0x1C03, s30  }
0x10: {  	s4 =	sadd.s32 s4, s15;
	s25 =	simm.s32 $0x1;
	s26 =	simm.s32 $0x2  }
0x11: {  	s11 =	sshrl.u32 s11, $0x3;
	s15 =	smax.u32 s16, $0x1;
	s31 =	sshrl.u32 s4, $0x3  }
0x12: {  	s17 =	sshrl.u32 s17, $0x3;
	s0 =	sadd.s32 s11, s0;
	s11 =	sadd.s32 $0xA29800, s13  }
0x13: {  	s16 =	sadd.s32 s31, s8;
	s13 =	sadd.s32 $0xAA0000, s0;
	s14 =	sadd.s32 $0xA51000, s0  }
.LBB2_1:
0x14: {  	[spmem:s17], [sflag:s12] =	dma.local [hbm:s11], $0x2780  }
0x15: {  	_ =	swait.ge [sflag:s18], $0x2780  }
0x16: {  	[sflag:s18] =	ssyncset.done $0x0  }
0x17: {  	[sflag:s18] =	ssyncadd.s32 $0xFFFFD880  }
0x18: {  	[tilespmem:s19], [sflag:$0x3] =	stream.linear.gather [hbm4b:s1+s3], $0x2800, $0x38;
	[tilespmem:$0x1DD00] =	vst v63  }
0x19: {  	_ =	swait.ge [sflag:s18], $0x2800  }
0x1a: {  	[sflag:s18] =	ssyncset.done $0x0  }
0x1b: {  	[sflag:s18] =	ssyncadd.s32 $0xFFFFD800  }
0x1c: {  	s0 =	sadd.s32 $0x0, s16;
	[bflag:$0x0] =	sbarrier.arrive $0xFFFF  }
0x1d: {  	[tilespmem:s3], [sflag:$0x3] =	stream.linear.gather [hbm4b:s0+s3], $0x50, $0x38;
	[tilespmem:$0x1DD00] =	vst v63  }
0x1e: {  	_ =	swait.ge [sflag:s18], $0x50  }
0x1f: {  	[sflag:s18] =	ssyncset.done $0x0  }
0x20: {  	[sflag:s18] =	ssyncadd.s32 $0xFFFFFFB0  }
0x21: {  	[spmem:s2] =	stream.indirect.scatter.add.f32 [tilespmem:s19], [sflag:$0x3], $0x80, s3, s20, $0xb8;
	[tilespmem:$0x1DD00] =	vst v63  }
0x22: {  	_ =	swait.ge [sflag:s18], $0x2800  }
0x23: {  	s4 =	simm.s32 $0x14;
	s0 =	simm.s32 $0xA;
	[sflag:s18] =	ssyncset.done $0x0  }
.LBB2_2:
0x24: {  	s29 =	sadd.s32 s0, s16  }
0x25: {  	[sflag:s18] =	ssyncadd.s32 $0xFFFFD800;
	s0 =	smov.u32 s4;
	s30 =	sadd.s32 $0xA, s4  }
0x26: {  	[tilespmem:s3], [sflag:$0x3] =	stream.linear.gather [hbm4b:s29+s3], $0x50, $0x38;
	[tilespmem:$0x1DD00] =	vst v63  }
0x27: {  	p0 =	sne.s32 s4, $0x4D8;
	_ =	swait.ge [sflag:s18], $0x50  }
.Ltmp0:
0x28: {  	[sflag:s18] =	ssyncset.done $0x0;
	(pc) =	sbr.rel @p0 .LBB2_2-.Ltmp0, $4  }
0x29: {  	[sflag:s18] =	ssyncadd.s32 $0xFFFFFFB0  }
0x2a: {  	[spmem:s2] =	stream.indirect.scatter.add.f32 [tilespmem:s19], [sflag:$0x3], $0x80, s3, s20, $0xb8;
	[tilespmem:$0x1DD00] =	vst v63  }
0x2b: {  	_ =	swait.ge [sflag:s18], $0x2800  }
0x2c: {  	s4 =	smov.u32 s30;
	[sflag:s18] =	ssyncset.done $0x0  }
0x2d: {  	s0 =	sadd.s32 s0, s16;
	[sflag:s18] =	ssyncadd.s32 $0xFFFFD800  }
0x2e: {  	[tilespmem:s3], [sflag:$0x3] =	stream.linear.gather [hbm4b:s0+s3], $0x50, $0x38;
	[tilespmem:$0x1DD00] =	vst v63  }
0x2f: {  	_ =	swait.ge [sflag:s18], $0x50  }
0x30: {  	[sflag:s18] =	ssyncset.done $0x0  }
0x31: {  	[sflag:s18] =	ssyncadd.s32 $0xFFFFFFB0  }
0x32: {  	[spmem:s2] =	stream.indirect.scatter.add.f32 [tilespmem:s19], [sflag:$0x3], $0x80, s3, s20, $0xb8;
	[tilespmem:$0x1DD00] =	vst v63  }
0x33: {  	_ =	swait.ge [sflag:s18], $0x2800  }
0x34: {  	[sflag:s18] =	ssyncset.done $0x0  }
0x35: {  	[sflag:s18] =	ssyncadd.s32 $0xFFFFD800  }
0x36: {  	[bflag:$0x0] =	sbarrier.arrive $0xFFFF  }
0x37: {  	[hbm:s13], [sflag:s12] =	dma.local [spmem:s17], $0x2780  }
0x38: {  	_ =	swait.ge [sflag:s18], $0x2780  }
0x39: {  	[sflag:s18] =	ssyncset.done $0x0  }
0x3a: {  	[sflag:s18] =	ssyncadd.s32 $0xFFFFD880  }
0x3b: {  	[bflag:$0x0] =	sbarrier.arrive $0xFFFF  }
0x3c: {  	[spmem:s17], [sflag:s12] =	dma.local [hbm:s11], $0x2780  }
0x3d: {  	_ =	swait.ge [sflag:s18], $0x2780  }
0x3e: {  	[sflag:s18] =	ssyncset.done $0x0  }
0x3f: {  	[sflag:s18] =	ssyncadd.s32 $0xFFFFD880  }
0x40: {  	s29 =	simm.s32 $0x0;
	s30 =	simm.s32 $0x0;
	[bflag:$0x0] =	sbarrier.arrive $0xFFFF  }
.LBB2_4:
0x41: {  	s0 =	smul.u32 $0x50, s30;
	_ =	sdelay $0x1  }
0x42: {  	s0 =	sadd.s32 s10, s0  }
0x43: {  	s4 =	sshrl.u32 s0, $0x3  }
0x44: {  	s31 =	sadd.s32 s8, s4  }
0x45: {  	[tilespmem:s29], [sflag:$0x3] =	stream.linear.gather [hbm4b:s31+s29], $0x50, $0x38;
	[tilespmem:$0x1DD00] =	vst v63  }
0x46: {  	_ =	swait.ge [sflag:s18], $0x50  }
0x47: {  	[sflag:s18] =	ssyncset.done $0x0  }
0x48: {  	s4 =	sadd.s32 s9, s4;
	[sflag:s18] =	ssyncadd.s32 $0xFFFFFFB0  }
0x49: {  	[tilespmem:s21], [sflag:$0x3] =	stream.linear.gather [hbm4b:s4+s29], $0x50, $0x38;
	[tilespmem:$0x1DD00] =	vst v63  }
0x4a: {  	_ =	swait.ge [sflag:s18], $0x50  }
0x4b: {  	[sflag:s18] =	ssyncset.done $0x0  }
0x4c: {  	[sflag:s18] =	ssyncadd.s32 $0xFFFFFFB0  }
0x4d: {  	[tilespmem:s22], [sflag:$0x1] =	stream.indirect.gather [hbm4b:s5+s20], $0x80, s29, s20, $0xb8;
	[tilespmem:$0x1DD00] =	vst v63  }
0x4e: {  	s0 =	sshll.u32 s0, $0x4  }
0x4f: {  	[tilespmem:s23], [sflag:$0x2] =	stream.indirect.gather [hbm4b:s6+s20], $0x80, s21, s20, $0xb8;
	[tilespmem:$0x1DD00] =	vst v63  }
0x50: {  	s0 =	sadd.s32 s7, s0  }
0x51: {  	[tilespmem:s24], [sflag:$0x3] =	stream.linear.gather [hbm4b:s0+s29], $0x2800, $0x38;
	[tilespmem:$0x1DD00] =	vst v63  }
0x52: {  	_ =	swait.ge [sflag:s18], $0x2800  }
0x53: {  	[sflag:s18] =	ssyncset.done $0x0  }
0x54: {  	[sflag:s18] =	ssyncadd.s32 $0xFFFFD800  }
0x55: {  	_ =	swait.ge [sflag:s25], $0x2800  }
0x56: {  	[sflag:s25] =	ssyncset.done $0x0  }
0x57: {  	[sflag:s25] =	ssyncadd.s32 $0xFFFFD800  }
0x58: {  	_ =	swait.ge [sflag:s26], $0x2800  }
0x59: {  	[sflag:s26] =	ssyncset.done $0x0  }
0x5a: {  	s31 =	simm.s32 $0x0;
	[sflag:s26] =	ssyncadd.s32 $0xFFFFD800  }
0x5b: {  	v0 =	vld [tilespmem:s31+$0x170]  }
0x5c: {  	v1 =	vld [tilespmem:s31+$0x2970]  }
0x5d: {  	v2 =	vld [tilespmem:s31+$0x100]  }
0x5e: {  	v3 =	vld [tilespmem:s31+$0x5170]  }
0x5f: {  	v4 =	vld [tilespmem:s31+$0x2900]  }
0x60: {  	v5 =	vld [tilespmem:s31+$0x110]  }
0x61: {  	v6 =	vld [tilespmem:s31+$0x2910]  }
0x62: {  	v7 =	vld [tilespmem:s31+$0x2920]  }
0x63: {  	v9 =	vld [tilespmem:s31+$0x2930]  }
0x64: {  	v10 =	vld [tilespmem:s31+$0x140]  }
0x65: {  	v11 =	vld [tilespmem:s31+$0x150]  }
0x66: {  	v12 =	vld [tilespmem:s31+$0x2950]  }
0x67: {  	v13 =	vld [tilespmem:s31+$0x160];
	v0 =	vadd.f32 v1, v0  }
0x68: {  	v14 =	vld [tilespmem:s31+$0x2960]  }
0x69: {  	v15 =	vld [tilespmem:s31+$0x5100];
	v0 =	vadd.f32 v3, v0  }
0x6a: {  	v1 =	vld [tilespmem:s31+$0x120]  }
0x6b: {  	v3 =	vld [tilespmem:s31+$0x130];
	v0 =	vmax.f32 v0, $0.0e+00  }
0x6c: {  	[tilespmem:s31+$0x7970] =	vst v0;
	v0 =	vld [tilespmem:s31+$0x2940]  }
0x6d: {  	v16 =	vld [tilespmem:s31+$0x5110]  }
0x6e: {  	v17 =	vld [tilespmem:s31+$0x5120]  }
0x6f: {  	v8 =	vld [tilespmem:s31+$0x5130];
	v2 =	vadd.f32 v4, v2;
	v18 =	vadd.f32 v6, v5  }
0x70: {  	v19 =	vadd.f32 v7, v1;
	v7 =	vld [tilespmem:s31+$0x5140];
	v4 =	vadd.f32 v9, v3  }
0x71: {  	v6 =	vld [tilespmem:s31+$0x5150];
	v3 =	vadd.f32 v0, v10;
	v10 =	vadd.f32 v15, v2  }
0x72: {  	s0 =	simm.s32 $0x80;
	v5 =	vld [tilespmem:s31+$0x5160];
	v9 =	vadd.f32 v16, v18;
	v2 =	vadd.f32 v12, v11  }
0x73: {  	s4 =	simm.s32 $0x400;
	v1 =	vld [tilespmem:s0+$0x170];
	v0 =	vadd.f32 v14, v13;
	v11 =	vmax.f32 v10, $0.0e+00;
	v10 =	vadd.f32 v17, v19  }
.LBB2_5:
0x74: {  	p0 =	sne.s32 s4, $0x9E00;
	v12 =	vld [tilespmem:s0+$0x2970];
	[tilespmem:s31+$0x7900] =	vst v11;
	v9 =	vmax.f32 v9, $0.0e+00;
	v4 =	vadd.f32 v8, v4  }
0x75: {  	v8 =	vld [tilespmem:s0+$0x100];
	[tilespmem:s31+$0x7910] =	vst v9;
	v9 =	vmax.f32 v10, $0.0e+00;
	v3 =	vadd.f32 v7, v3  }
0x76: {  	v7 =	vld [tilespmem:s0+$0x5170];
	[tilespmem:s31+$0x7920] =	vst v9;
	v4 =	vmax.f32 v4, $0.0e+00;
	v2 =	vadd.f32 v6, v2  }
0x77: {  	v6 =	vld [tilespmem:s0+$0x2900];
	[tilespmem:s31+$0x7930] =	vst v4;
	v3 =	vmax.f32 v3, $0.0e+00;
	v0 =	vadd.f32 v5, v0  }
0x78: {  	v4 =	vld [tilespmem:s0+$0x110];
	[tilespmem:s31+$0x7940] =	vst v3;
	v2 =	vmax.f32 v2, $0.0e+00  }
0x79: {  	v3 =	vld [tilespmem:s0+$0x2910];
	v1 =	vadd.f32 v12, v1;
	[tilespmem:s31+$0x7950] =	vst v2;
	v0 =	vmax.f32 v0, $0.0e+00  }
0x7a: {  	v2 =	vld [tilespmem:s0+$0x120];
	[tilespmem:s31+$0x7960] =	vst v0;
	s31 =	smov.u32 s0  }
0x7b: {  	v0 =	vld [tilespmem:s31+$0x2920];
	v1 =	vadd.f32 v7, v1  }
0x7c: {  	v5 =	vadd.f32 v6, v8;
	v6 =	vld [tilespmem:s31+$0x130]  }
0x7d: {  	v7 =	vld [tilespmem:s31+$0x2930];
	v1 =	vmax.f32 v1, $0.0e+00  }
0x7e: {  	v9 =	vadd.f32 v3, v4;
	v3 =	vld [tilespmem:s31+$0x140];
	[tilespmem:s31+$0x7970] =	vst v1  }
0x7f: {  	v1 =	vld [tilespmem:s31+$0x2940]  }
0x80: {  	v10 =	vadd.f32 v0, v2;
	v0 =	vld [tilespmem:s31+$0x150]  }
0x81: {  	v2 =	vld [tilespmem:s31+$0x2950]  }
0x82: {  	v4 =	vadd.f32 v7, v6;
	v6 =	vld [tilespmem:s31+$0x160]  }
0x83: {  	v11 =	vld [tilespmem:s31+$0x2960]  }
0x84: {  	v12 =	vld [tilespmem:s31+$0x5100];
	v3 =	vadd.f32 v1, v3  }
0x85: {  	v1 =	vld [tilespmem:s31+$0x5110]  }
0x86: {  	v13 =	vld [tilespmem:s31+$0x5120];
	v2 =	vadd.f32 v2, v0  }
.Ltmp1:
0x87: {  	v8 =	vld [tilespmem:s31+$0x5130];
	(pc) =	sbr.rel @p0 .LBB2_5-.Ltmp1, $4  }
0x88: {  	v7 =	vld [tilespmem:s31+$0x5140];
	v0 =	vadd.f32 v11, v6  }
0x89: {  	v11 =	vadd.f32 v12, v5;
	v6 =	vld [tilespmem:s31+$0x5150]  }
0x8a: {  	s0 =	sshra.s32 s4, $0x2;
	v9 =	vadd.f32 v1, v9;
	v5 =	vld [tilespmem:s31+$0x5160]  }
0x8b: {  	s4 =	sadd.s32 $0x200, s4;
	v1 =	vld [tilespmem:s0+$0x170];
	v11 =	vmax.f32 v11, $0.0e+00;
	v10 =	vadd.f32 v13, v10  }
0x8c: {  	v12 =	vld [tilespmem:s0+$0x2970];
	[tilespmem:s31+$0x7900] =	vst v11;
	v9 =	vmax.f32 v9, $0.0e+00;
	v4 =	vadd.f32 v8, v4  }
0x8d: {  	v11 =	vld [tilespmem:s0+$0x100];
	[tilespmem:s31+$0x7910] =	vst v9;
	v41 =	vmax.f32 v10, $0.0e+00;
	v3 =	vadd.f32 v7, v3  }
0x8e: {  	v9 =	vld [tilespmem:s0+$0x5170];
	[tilespmem:s31+$0x7920] =	vst v41;
	v4 =	vmax.f32 v4, $0.0e+00;
	v2 =	vadd.f32 v6, v2  }
0x8f: {  	v42 =	vld [tilespmem:s0+$0x2900];
	[tilespmem:s31+$0x7930] =	vst v4;
	v3 =	vmax.f32 v3, $0.0e+00;
	v0 =	vadd.f32 v5, v0  }
0x90: {  	v4 =	vld [tilespmem:s0+$0x110];
	[tilespmem:s31+$0x7940] =	vst v3;
	v2 =	vmax.f32 v2, $0.0e+00  }
0x91: {  	v3 =	vld [tilespmem:s0+$0x2910];
	[tilespmem:s31+$0x7950] =	vst v2;
	v0 =	vmax.f32 v0, $0.0e+00  }
0x92: {  	v2 =	vld [tilespmem:s0+$0x120];
	[tilespmem:s31+$0x7960] =	vst v0  }
0x93: {  	v0 =	vld [tilespmem:s0+$0x2920]  }
0x94: {  	v43 =	vld [tilespmem:s0+$0x130]  }
0x95: {  	v44 =	vld [tilespmem:s0+$0x2930]  }
0x96: {  	v8 =	vld [tilespmem:s0+$0x140]  }
0x97: {  	v45 =	vld [tilespmem:s0+$0x2940]  }
0x98: {  	v46 =	vld [tilespmem:s0+$0x150]  }
0x99: {  	v47 =	vld [tilespmem:s0+$0x2950]  }
0x9a: {  	v48 =	vld [tilespmem:s0+$0x160]  }
0x9b: {  	v13 =	vld [tilespmem:s0+$0x2960]  }
0x9c: {  	v14 =	vld [tilespmem:s0+$0x5100]  }
0x9d: {  	v15 =	vld [tilespmem:s0+$0x5110]  }
0x9e: {  	v1 =	vadd.f32 v12, v1;
	v16 =	vld [tilespmem:s0+$0x5120]  }
0x9f: {  	v49 =	vld [tilespmem:s0+$0x5130];
	v7 =	vadd.f32 v42, v11  }
0xa0: {  	v1 =	vadd.f32 v9, v1;
	v50 =	vld [tilespmem:s0+$0x5140];
	v3 =	vadd.f32 v3, v4  }
0xa1: {  	v52 =	vld [tilespmem:s0+$0x5150];
	v0 =	vadd.f32 v0, v2;
	v51 =	vadd.f32 v14, v7  }
0xa2: {  	v53 =	vld [tilespmem:s0+$0x5160];
	v1 =	vmax.f32 v1, $0.0e+00;
	v5 =	vadd.f32 v44, v43;
	v3 =	vadd.f32 v15, v3  }
0xa3: {  	[tilespmem:s0+$0x7970] =	vst v1;
	v1 =	vadd.f32 v45, v8;
	v0 =	vadd.f32 v16, v0;
	v2 =	vmax.f32 v51, $0.0e+00  }
0xa4: {  	v54 =	vadd.f32 v47, v46;
	v55 =	vmax.f32 v3, $0.0e+00;
	v56 =	vadd.f32 v49, v5;
	[tilespmem:s0+$0x7900] =	vst v2  }
0xa5: {  	v57 =	vadd.f32 v13, v48;
	v1 =	vadd.f32 v50, v1;
	[tilespmem:s0+$0x7910] =	vst v55;
	v0 =	vmax.f32 v0, $0.0e+00  }
0xa6: {  	v59 =	vadd.f32 v52, v54;
	v58 =	vmax.f32 v56, $0.0e+00;
	[tilespmem:s0+$0x7920] =	vst v0  }
0xa7: {  	v61 =	vadd.f32 v53, v57;
	v60 =	vmax.f32 v1, $0.0e+00;
	[tilespmem:s0+$0x7930] =	vst v58  }
0xa8: {  	s30 =	sadd.s32 $0x1, s30;
	v62 =	vmax.f32 v59, $0.0e+00;
	[tilespmem:s0+$0x7940] =	vst v60  }
0xa9: {  	p0 =	sne.s32 s30, $0x7D;
	v63 =	vmax.f32 v61, $0.0e+00;
	[tilespmem:s0+$0x7950] =	vst v62  }
.Ltmp2:
0xaa: {  	[tilespmem:s0+$0x7960] =	vst v63;
	(pc) =	sbr.rel @p0 .LBB2_4-.Ltmp2, $4  }
0xab: {  	[spmem:s2] =	stream.indirect.scatter.add.f32 [tilespmem:s19], [sflag:$0x3], $0x80, s3, s20, $0xb8;
	[tilespmem:$0x1DD00] =	vst v63  }
0xac: {  	_ =	swait.ge [sflag:s18], $0x2800  }
0xad: {  	[sflag:s18] =	ssyncset.done $0x0  }
0xae: {  	[sflag:s18] =	ssyncadd.s32 $0xFFFFD800  }
0xaf: {  	s28 =	sadd.s32 $0x1, s28  }
0xb0: {  	p0 =	sne.s32 s28, s15  }
.Ltmp3:
0xb1: {  	[bflag:$0x0] =	sbarrier.arrive $0xFFFF;
	(pc) =	sbr.rel @p0 .LBB2_1-.Ltmp3, $4  }
0xb2: {  	[hbm:s14], [sflag:s12] =	dma.local [spmem:s17], $0x2780  }
0xb3: {  	_ =	swait.ge [sflag:s18], $0x2780  }
0xb4: {  	[sflag:s18] =	ssyncset.done $0x0  }
0xb5: {  	[sflag:s18] =	ssyncadd.s32 $0xFFFFD880  }
0xb6: {  	_ =	sfence.sel $0x180000  }
0xb7: {  	[bflag:$0x0] =	sbarrier.arrive $0xFFFF  }
0xb8: {  	_ =	strace $0x90000047  }
0xb9: {  	s0 =	stileid.u32;
	[bflag:$0x2] =	sbarrier.arrive $0xFFFF  }
0xba: {  	p0 =	sne.s32 s0, $0x0;
	s0 =	rddreg [dreg:$0x3]  }
0xbb: {  	s0 =	sadd.s32 @!p0 $0x100000, s0  }
0xbc: {  	[sflag:s0] =	ssyncadd.tile.s32 @!p0 $0x1;
	_ =	shalt  }
.Lfunc_end2:
_tile_overlayer_lowered:
.L_overlay_start_2:
0xbd: {  	(tag) =	ssettag $0x2  }
0xbe: {  	s0 =	rddreg [dreg:$0x0];
	s2 =	stileid.u32  }
0xbf: {  	s1 =	rddreg [dreg:$0x1];
	p0 =	sne.s32 s2, $0x0  }
0xc0: {  	s3 =	rddreg [dreg:$0x2];
	[bflag:$0x3] =	sbarrier.arrive $0xFFFF;
	s2 =	simm.s32 @!p0 $0x1C03  }
0xc1: {  	[timem:s3], [sflag:s2] =	dma.local @!p0 [hbm:s0], s1  }
0xc2: {  	s0 =	simm.s32 @!p0 $0x3  }
0xc3: {  	_ =	swait.ge @!p0 [sflag:s0], s1  }
0xc4: {  	s1 =	ssub.s32 @!p0 $0x0, s1;
	[sflag:s0] =	ssyncset.done @!p0 $0x0  }
0xc5: {  	[sflag:s0] =	ssyncadd.s32 @!p0 s1  }
0xc6: {  	[bflag:$0x3] =	sbarrier.arrive $0xFFFF  }
0xc7: {  	_ =	shalt  }

// kernel: kernel.13.cloned.1.call-start
scs
__scs_entry_jumppad:
0x0: {  	(pc) =	sbr.rel $0x88, $3  }
0x1: {  	(tag) =	ssettag $0x0;
	lr =	simm.s32 $0x1  }
0x2: {  	[smem:$0x3F90] =	sst lr;
	_ =	strace $0xD0000000  }
0x3: {  	_ = 	snop  }
0x4: {  	_ = 	snop  }
0x5: {  	_ = 	snop  }
0x6: {  	_ = 	snop  }
0x7: {  	_ = 	snop  }
__scs_overlays_trampoline_lowered:
0x8: {  	[smem:$0x3F9F] =	sst s0  }
0x9: {  	[smem:$0x3FA0] =	sst s1  }
0xa: {  	[smem:$0x3FA1] =	sst s2  }
0xb: {  	[smem:$0x3FA2] =	sst s3  }
0xc: {  	[smem:$0x3FA3] =	sst s4  }
0xd: {  	[smem:$0x3FA4] =	sst s5  }
0xe: {  	[smem:$0x3FA5] =	sst s6  }
0xf: {  	[smem:$0x3FA6] =	sst s7  }
0x10: {  	[smem:$0x3FA7] =	sst s8  }
0x11: {  	[smem:$0x3FA8] =	sst s9;
	s0 =	simm.s32 @!p0 $0x0  }
0x12: {  	s1 =	sld [smem:$0x3F8E];
	s0 =	simm.s32 @p0 $0x1  }
0x13: {  	[smem:$0x3FA9] =	sst s0;
	s0 =	simm.s32 @!p1 $0x0  }
0x14: {  	s2 =	sld [smem:$0x3F8D];
	s0 =	simm.s32 @p1 $0x1  }
0x15: {  	[smem:$0x3FAA] =	sst s0;
	s0 =	simm.s32 @!p2 $0x0  }
0x16: {  	s3 =	sld [smem:$0x3FDB];
	s0 =	simm.s32 @p2 $0x1  }
0x17: {  	s4 =	simm.s32 $0x1BF5;
	[smem:$0x3FAC] =	sst s0  }
0x18: {  	s0 =	sld [smem:$0x3F8F];
	_ =	swait.ge [sflag:s4], $0x0  }
0x19: {  	s7 =	sld [smem:$0x3F90]  }
0x1a: {  	s8 =	sadd.s32 $0xFFFFE003, lr  }
0x1b: {  	s9 =	sadd.s32 $0xFFFFFEF7, lr;
	s5 =	simm.s32 $0xFFFFFFFF;
	p2 =	slt.u32 s8, $0xFFFFF086  }
0x1c: {  	p1 =	slt.u32 s9, $0xF7A;
	s5 =	simm.s32 @!p2 $0x0  }
0x1d: {  	s5 =	simm.s32 @p1 $0x1;
	p0 =	seq.s32 s7, s2  }
0x1e: {  	s7 =	smul.u32 @!p0 $0xF7A, s2;
	p2 =	seq.s32 @!p0 s5, $0x0  }
0x1f: {  	s9 =	smul.u32 $0xF7A, s1;
	s8 =	simm.s32 @!p0 $0x1BF5;
	p2 =	por !p2, p0  }
0x20: {  	[sflag:s8] =	ssyncset.s32 @!p0 $0xFFFFF086;
	s6 =	sadd.s32 @!p0 s3, s7;
	s7 =	simm.s32 @!p0 $0x108  }
0x21: {  	s3 =	sadd.s32 s3, s9;
	s6 =	sadd.s32 @!p0 $0x88, s6;
	s7 =	simm.s32 @p2 $0x1082  }
0x22: {  	[simem:s7], [sflag:s8] =	dma.local @!p0 [hbm:s6], $0xF7A  }
0x23: {  	s9 =	sor.u32 $0xD0000000, s2;
	s6 =	simm.s32 $0x108;
	_ =	swait.ge @!p0 [sflag:s8], $0x0  }
0x24: {  	s3 =	sadd.s32 $0x88, s3;
	s6 =	simm.s32 @!p1 $0x1082;
	[sflag:s4] =	ssyncset.s32 $0xFFFFF086  }
0x25: {  	[simem:s6], [sflag:s4] =	dma.local [hbm:s3], $0xF7A  }
0x26: {  	[smem:$0x3F90] =	sst s1;
	(tag) =	ssettag s2;
	_ =	strace s9  }
0x27: {  	s1 =	sld [smem:$0x3FA0]  }
0x28: {  	s2 =	sld [smem:$0x3FA1]  }
0x29: {  	s4 =	sld [smem:$0x3FA3]  }
0x2a: {  	p0 =	seq.s32 s5, $0x0;
	s5 =	sld [smem:$0x3FA4]  }
0x2b: {  	s6 =	sld [smem:$0x3FA5]  }
0x2c: {  	s7 =	sld [smem:$0x3FA6]  }
0x2d: {  	s3 =	simm.s32 $0x108;
	s8 =	sld [smem:$0x3FA7]  }
0x2e: {  	s3 =	simm.s32 @!p0 $0x1082;
	s9 =	sld [smem:$0x3FA8]  }
0x2f: {  	lr =	sadd.s32 s0, s3;
	s0 =	sld [smem:$0x3F9F]  }
0x30: {  	s3 =	sld [smem:$0x3FA2]  }
0x31: {  	[smem:$0x3FAB] =	sst s10  }
0x32: {  	s10 =	sld [smem:$0x3FA9];
	_ =	sdelay $0x3  }
0x33: {  	p0 =	seq.s32 s10, $0x1;
	s10 =	sld [smem:$0x3FAB];
	_ =	sdelay $0x3  }
0x34: {  	[smem:$0x3FAB] =	sst s10  }
0x35: {  	s10 =	sld [smem:$0x3FAA];
	_ =	sdelay $0x3  }
0x36: {  	p1 =	seq.s32 s10, $0x1;
	s10 =	sld [smem:$0x3FAB];
	_ =	sdelay $0x3  }
0x37: {  	[smem:$0x3FAB] =	sst s10  }
0x38: {  	s10 =	sld [smem:$0x3FAC]  }
0x39: {  	_ = 	snop;
	(pc) =	sbr.ind lr, $3  }
0x3a: {  	_ = 	snop  }
0x3b: {  	_ = 	snop  }
0x3c: {  	p2 =	seq.s32 s10, $0x1;
	s10 =	sld [smem:$0x3FAB]  }
0x3d: {  	_ =	shalt  }
0x3e: {  	_ =	shalt  }
0x3f: {  	_ =	shalt  }
0x40: {  	_ =	shalt  }
0x41: {  	_ =	shalt  }
0x42: {  	_ =	shalt  }
0x43: {  	_ =	shalt  }
0x44: {  	_ =	shalt  }
0x45: {  	_ =	shalt  }
0x46: {  	_ =	shalt  }
0x47: {  	_ =	shalt  }
0x48: {  	_ =	shalt  }
0x49: {  	_ =	shalt  }
0x4a: {  	_ =	shalt  }
0x4b: {  	_ =	shalt  }
0x4c: {  	_ =	shalt  }
0x4d: {  	_ =	shalt  }
0x4e: {  	_ =	shalt  }
0x4f: {  	_ =	shalt  }
0x50: {  	_ =	shalt  }
0x51: {  	_ =	shalt  }
0x52: {  	_ =	shalt  }
0x53: {  	_ =	shalt  }
0x54: {  	_ =	shalt  }
0x55: {  	_ =	shalt  }
0x56: {  	_ =	shalt  }
0x57: {  	_ =	shalt  }
0x58: {  	_ =	shalt  }
0x59: {  	_ =	shalt  }
0x5a: {  	_ =	shalt  }
0x5b: {  	_ =	shalt  }
0x5c: {  	_ =	shalt  }
0x5d: {  	_ =	shalt  }
0x5e: {  	_ =	shalt  }
0x5f: {  	_ =	shalt  }
0x60: {  	_ =	shalt  }
0x61: {  	_ =	shalt  }
0x62: {  	_ =	shalt  }
0x63: {  	_ =	shalt  }
0x64: {  	_ =	shalt  }
0x65: {  	_ =	shalt  }
0x66: {  	_ =	shalt  }
0x67: {  	_ =	shalt  }
0x68: {  	_ =	shalt  }
0x69: {  	_ =	shalt  }
0x6a: {  	_ =	shalt  }
0x6b: {  	_ =	shalt  }
0x6c: {  	_ =	shalt  }
0x6d: {  	_ =	shalt  }
0x6e: {  	_ =	shalt  }
0x6f: {  	_ =	shalt  }
0x70: {  	_ =	shalt  }
0x71: {  	_ =	shalt  }
0x72: {  	_ =	shalt  }
0x73: {  	_ =	shalt  }
0x74: {  	_ =	shalt  }
0x75: {  	_ =	shalt  }
0x76: {  	_ =	shalt  }
0x77: {  	_ =	shalt  }
0x78: {  	_ =	shalt  }
0x79: {  	_ =	shalt  }
0x7a: {  	_ =	shalt  }
0x7b: {  	_ =	shalt  }
0x7c: {  	_ =	shalt  }
0x7d: {  	_ =	shalt  }
0x7e: {  	_ =	shalt  }
0x7f: {  	_ =	shalt  }
0x80: {  	_ =	shalt  }
0x81: {  	_ =	shalt  }
0x82: {  	_ =	shalt  }
0x83: {  	_ =	shalt  }
0x84: {  	_ =	shalt  }
0x85: {  	_ =	shalt  }
0x86: {  	_ =	shalt  }
0x87: {  	_ =	shalt  }
.Lfunc_end0:
.L_simem_size_0:
called_computation.1_lowered:
.L_overlay_start_0:
0x88: {  	s2 =	sld [smem:$0x3FD9]  }
0x89: {  	s3 =	sld [smem:$0x3FFE];
	_ =	sdelay $0x1  }
0x8a: {  	s1 =	srdreg.scid  }
0x8b: {  	s0 =	sand.u32 $0x1, s1  }
0x8c: {  	s16 =	sshll.u32 s0, $0xA;
	s2 =	sadd.s32 s3, s2  }
0x8d: {  	s2 =	sadd.s32 s2, s16  }
0x8e: {  	[smem:$0x3FB7] =	sst s2  }
0x8f: {  	_ = 	snop  }
0x90: {  	(tm) =	ssettm $0x1  }
0x91: {  	s17 =	sld [smem:$0x3FFB];
	_ =	sdelay $0x3  }
0x92: {  	_ =	strace s17  }
0x93: {  	s2 =	sld [smem:$0x3FFC];
	_ =	sdelay $0x3  }
0x94: {  	_ =	strace s2  }
0x95: {  	s2 =	sld [smem:$0x3FFD];
	_ =	sdelay $0x3  }
0x96: {  	_ =	strace s2  }
0x97: {  	_ =	strace $0x8FFFFFFF  }
0x98: {  	s18 =	sld [smem:$0x3FDB];
	_ =	sdelay $0x1  }
0x99: {  	s19 =	simm.s32 $_scs_section_size  }
0x9a: {  	s4 =	simm.s32 $_size__tile_overlayer_lowered;
	s5 =	simm.s32 $_tile_overlayer_lowered  }
0x9b: {  	s22 =	simm.s32 $0x1BFF;
	s21 =	sshll.u32 s5, $0x1;
	s2 =	sadd.s32 s19, s18  }
0x9c: {  	s6 =	simm.s32 $0x0;
	s20 =	sshll.u32 s4, $0x1;
	s4 =	sadd.s32 s21, s2  }
0x9d: {  	[timem:s6], [sflag:s22] =	dma.local [hbm:s4], s20  }
0x9e: {  	_ =	swait.ge [sflag:s22], s20  }
0x9f: {  	s3 =	ssub.s32 $0x0, s20;
	[sflag:s22] =	ssyncset.done $0x0  }
0xa0: {  	[sflag:s22] =	ssyncadd.s32 s3;
	_ =	sdelay $0x1  }
0xa1: {  	s23 =	simm.s32 $0x1B8B  }
0xa2: {  	_ =	swait.ge [sflag:s23], $0x1  }
0xa3: {  	[sflag:s23] =	ssyncset.done $0x0  }
0xa4: {  	s25 =	simm.s32 $0x1B8E;
	s24 =	sld [smem:$0x3FFE];
	[sflag:s23] =	ssyncadd.s32 $0xFFFFFFFF  }
0xa5: {  	s26 =	simm.s32 $execute0_lowered;
	[smem:$0x3FD2] =	sst s25  }
0xa6: {  	s4 =	sshll.u32 s26, $0x1;
	_ =	strace $0x80000049;
	[dreg:$0x1] =	wrdreg $0xFFFFFFFF  }
0xa7: {  	s28 =	simm.s32 $_size_execute0_lowered;
	s2 =	sadd.s32 s2, s4;
	[dreg:$0x0] =	wrdreg $0x0  }
0xa8: {  	s4 =	sshll.u32 s28, $0x1;
	[dreg:$0x2] =	wrdreg s2  }
0xa9: {  	[dreg:$0x3] =	wrdreg s4  }
0xaa: {  	[dreg:$0x4] =	wrdreg $0xC0  }
0xab: {  	_ =	task [dreg:s6], $0x5FFFF  }
0xac: {  	[dreg:$0x1] =	wrdreg $0xFFFFFFFF  }
0xad: {  	[dreg:$0x0] =	wrdreg $0x60  }
0xae: {  	[dreg:$0x2] =	wrdreg s24  }
0xaf: {  	[dreg:$0x3] =	wrdreg $0xA1000  }
0xb0: {  	[dreg:$0x4] =	wrdreg $0x9  }
0xb1: {  	_ =	task.clear_ibuf [dreg:s6], $0x5FFFF;
	_ =	strace $0x90000049  }
0xb2: {  	s29 =	simm.s32 $0x9;
	_ =	strace $0x8000004B  }
0xb3: {  	_ =	swait.ge [sflag:s29], $0x1  }
0xb4: {  	[sflag:s29] =	ssyncadd.s32 $0xFFFFFFFF  }
0xb5: {  	_ =	strace $0x9000004B  }
0xb6: {  	_ =	sfence  }
0xb7: {  	s30 =	sld [smem:$0x0];
	_ =	sdelay $0x2  }
0xb8: {  	s31 =	sshll.u32 s1, $0xD;
	s1 =	sshrl.u32 s1, $0x2  }
0xb9: {  	s3 =	sand.u32 $0x4000, s31;
	s1 =	sadd.s32 s1, s30  }
0xba: {  	s0 =	sor.u32 s3, s0;
	s1 =	sshll.u32 s1, $0x11  }
0xbb: {  	s0 =	sor.u32 s1, s0  }
0xbc: {  	s0 =	sadd.s32 $0x8F2B, s0  }
0xbd: {  	[sflag:s0] =	ssyncadd.remote.s32 $0x1  }
0xbe: {  	_ =	sfence.sel $0xFFFF  }
0xbf: {  	[dreg:$0x0] =	wrdreg $0xFFFFFFFF;
	(pc) =	sbr.abs _section_cstart, $3  }
0xc0: {  	[dreg:$0x1] =	wrdreg $0xFFFFFFFF  }
0xc1: {  	_ =	task.clear_ibuf [dreg:s6], $0x2FFFF;
	_ =	strace $0x9FFFFFFF  }
0xc2: {  	(tm) =	ssettm $0x7FFFFFFF  }
0xc3: {  	_ =	shalt  }
tec
execute0_lowered:
.L_overlay_start_1:
0x0: {  	(tag) =	ssettag $0x1  }
0x1: {  	s9 =	rddreg [dreg:$0x0]  }
0x2: {  	s2 =	rddreg [dreg:$0x1]  }
0x3: {  	s0 =	rddreg [dreg:$0x2];
	s3 =	simm.s32 $0x0;
	s1 =	stileid.u32  }
0x4: {  	s4 =	srdreg.scid;
	s17 =	simm.s32 $0x50;
	s18 =	simm.s32 $0x100  }
0x5: {  	s19 =	simm.s32 $0x2900;
	s20 =	simm.s32 $0x5100;
	s21 =	simm.s32 $0x1  }
0x6: {  	s22 =	simm.s32 $0x2;
	s23 =	simm.s32 $0x7900;
	s30 =	simm.s32 $0x0  }
0x7: {  	[smem:$0x7FF] =	sst s3;
	s10 =	smul.u32 $0x13C00, s1;
	s11 =	sand.u32 $0x1, s4  }
0x8: {  	s4 =	sadd.s32 $0xA51000, s9;
	s5 =	sadd.s32 $0xA78200, s9;
	s6 =	sadd.s32 $0xAEF000, s9  }
0x9: {  	s7 =	sadd.s32 $0xD600, s9;
	s8 =	sadd.s32 $0x3800, s9;
	s14 =	smul.u32 $0x4F000, s1  }
0xa: {  	s26 =	sshll.u32 s1, $0x1;
	s31 =	sshll.u32 s1, $0x6;
	_ =	strace $0x8000004A  }
0xb: {  	s12 =	smul.u32 $0x13C000, s11;
	s24 =	ssub.s32 $0x2, s11;
	s28 =	sor.u32 s11, s26  }
0xc: {  	s11 =	sor.u32 $0x1C03, s31;
	s13 =	sshrl.u32 s10, $0x3;
	s25 =	sshrl.u32 s24, $0x1  }
0xd: {  	s29 =	sshrl.u32 s14, $0x2;
	s13 =	sadd.s32 s13, s9;
	s10 =	sadd.s32 s10, s12  }
0xe: {  	s16 =	ssub.s32 s24, s25;
	s14 =	sadd.s32 s29, s2;
	s10 =	sshrl.u32 s10, $0x3  }
0xf: {  	s24 =	simm.s32 $0x0;
	s14 =	sshrl.u32 s14, $0x3;
	s15 =	sadd.s32 s10, s9  }
0x10: {  	s9 =	smul.u32 $0x2710, s28;
	s10 =	sadd.s32 $0xA29800, s13;
	s13 =	smax.u32 s16, $0x1  }
0x11: {  	s16 =	simm.s32 $0x80;
	s12 =	sadd.s32 $0x17400, s15;
	s15 =	simm.s32 $0x3  }
.LBB2_1:
0x12: {  	[spmem:s14], [sflag:s11] =	dma.local [hbm:s10], $0x2780  }
0x13: {  	_ =	swait.ge [sflag:s15], $0x2780  }
0x14: {  	[sflag:s15] =	ssyncset.done $0x0  }
0x15: {  	[sflag:s15] =	ssyncadd.s32 $0xFFFFD880  }
0x16: {  	s25 =	simm.s32 $0x0;
	[bflag:$0x0] =	sbarrier.arrive $0xFFFF  }
.LBB2_2:
0x17: {  	s26 =	smul.u32 $0x50, s25;
	_ =	sdelay $0x1  }
0x18: {  	s26 =	sadd.s32 s9, s26  }
0x19: {  	s28 =	sshrl.u32 s26, $0x3  }
0x1a: {  	s29 =	sadd.s32 s7, s28  }
0x1b: {  	[tilespmem:s30], [sflag:$0x3] =	stream.linear.gather [hbm4b:s29+s30], $0x50, $0x38;
	[tilespmem:$0x1DD00] =	vst v63  }
0x1c: {  	_ =	swait.ge [sflag:s15], $0x50  }
0x1d: {  	[sflag:s15] =	ssyncset.done $0x0  }
0x1e: {  	s28 =	sadd.s32 s8, s28;
	[sflag:s15] =	ssyncadd.s32 $0xFFFFFFB0  }
0x1f: {  	[tilespmem:s16], [sflag:$0x3] =	stream.linear.gather [hbm4b:s28+s30], $0x50, $0x38;
	[tilespmem:$0x1DD00] =	vst v63  }
0x20: {  	_ =	swait.ge [sflag:s15], $0x50  }
0x21: {  	[sflag:s15] =	ssyncset.done $0x0  }
0x22: {  	[sflag:s15] =	ssyncadd.s32 $0xFFFFFFB0  }
0x23: {  	[tilespmem:s18], [sflag:$0x1] =	stream.indirect.gather [hbm4b:s4+s17], $0x80, s30, s17, $0xb8;
	[tilespmem:$0x1DD00] =	vst v63  }
0x24: {  	s26 =	sshll.u32 s26, $0x4  }
0x25: {  	[tilespmem:s19], [sflag:$0x2] =	stream.indirect.gather [hbm4b:s5+s17], $0x80, s16, s17, $0xb8;
	[tilespmem:$0x1DD00] =	vst v63  }
0x26: {  	s26 =	sadd.s32 s6, s26  }
0x27: {  	[tilespmem:s20], [sflag:$0x3] =	stream.linear.gather [hbm4b:s26+s30], $0x2800, $0x38;
	[tilespmem:$0x1DD00] =	vst v63  }
0x28: {  	_ =	swait.ge [sflag:s15], $0x2800  }
0x29: {  	[sflag:s15] =	ssyncset.done $0x0  }
0x2a: {  	[sflag:s15] =	ssyncadd.s32 $0xFFFFD800  }
0x2b: {  	_ =	swait.ge [sflag:s21], $0x2800  }
0x2c: {  	[sflag:s21] =	ssyncset.done $0x0  }
0x2d: {  	[sflag:s21] =	ssyncadd.s32 $0xFFFFD800  }
0x2e: {  	_ =	swait.ge [sflag:s22], $0x2800  }
0x2f: {  	[sflag:s22] =	ssyncset.done $0x0  }
0x30: {  	s26 =	simm.s32 $0x0;
	[sflag:s22] =	ssyncadd.s32 $0xFFFFD800  }
0x31: {  	v0 =	vld [tilespmem:s26+$0x170]  }
0x32: {  	v1 =	vld [tilespmem:s26+$0x2970]  }
0x33: {  	v2 =	vld [tilespmem:s26+$0x100]  }
0x34: {  	v3 =	vld [tilespmem:s26+$0x5170]  }
0x35: {  	v4 =	vld [tilespmem:s26+$0x2900]  }
0x36: {  	v5 =	vld [tilespmem:s26+$0x110]  }
0x37: {  	v6 =	vld [tilespmem:s26+$0x2910]  }
0x38: {  	v7 =	vld [tilespmem:s26+$0x2920]  }
0x39: {  	v9 =	vld [tilespmem:s26+$0x2930]  }
0x3a: {  	v10 =	vld [tilespmem:s26+$0x140]  }
0x3b: {  	v11 =	vld [tilespmem:s26+$0x150]  }
0x3c: {  	v12 =	vld [tilespmem:s26+$0x2950]  }
0x3d: {  	v13 =	vld [tilespmem:s26+$0x160];
	v0 =	vadd.f32 v1, v0  }
0x3e: {  	v14 =	vld [tilespmem:s26+$0x2960]  }
0x3f: {  	v15 =	vld [tilespmem:s26+$0x5100];
	v0 =	vadd.f32 v3, v0  }
0x40: {  	v1 =	vld [tilespmem:s26+$0x120]  }
0x41: {  	v3 =	vld [tilespmem:s26+$0x130];
	v0 =	vmax.f32 v0, $0.0e+00  }
0x42: {  	[tilespmem:s26+$0x7970] =	vst v0;
	v0 =	vld [tilespmem:s26+$0x2940]  }
0x43: {  	v16 =	vld [tilespmem:s26+$0x5110]  }
0x44: {  	v17 =	vld [tilespmem:s26+$0x5120]  }
0x45: {  	v8 =	vld [tilespmem:s26+$0x5130];
	v2 =	vadd.f32 v4, v2;
	v18 =	vadd.f32 v6, v5  }
0x46: {  	v19 =	vadd.f32 v7, v1;
	v7 =	vld [tilespmem:s26+$0x5140];
	v4 =	vadd.f32 v9, v3  }
0x47: {  	v6 =	vld [tilespmem:s26+$0x5150];
	v3 =	vadd.f32 v0, v10;
	v10 =	vadd.f32 v15, v2  }
0x48: {  	s28 =	simm.s32 $0x80;
	v5 =	vld [tilespmem:s26+$0x5160];
	v9 =	vadd.f32 v16, v18;
	v2 =	vadd.f32 v12, v11  }
0x49: {  	s29 =	simm.s32 $0x400;
	v1 =	vld [tilespmem:s28+$0x170];
	v0 =	vadd.f32 v14, v13;
	v11 =	vmax.f32 v10, $0.0e+00;
	v10 =	vadd.f32 v17, v19  }
.LBB2_3:
0x4a: {  	p0 =	sne.s32 s29, $0x9E00;
	v12 =	vld [tilespmem:s28+$0x2970];
	[tilespmem:s26+$0x7900] =	vst v11;
	v9 =	vmax.f32 v9, $0.0e+00;
	v4 =	vadd.f32 v8, v4  }
0x4b: {  	v8 =	vld [tilespmem:s28+$0x100];
	[tilespmem:s26+$0x7910] =	vst v9;
	v9 =	vmax.f32 v10, $0.0e+00;
	v3 =	vadd.f32 v7, v3  }
0x4c: {  	v7 =	vld [tilespmem:s28+$0x5170];
	[tilespmem:s26+$0x7920] =	vst v9;
	v4 =	vmax.f32 v4, $0.0e+00;
	v2 =	vadd.f32 v6, v2  }
0x4d: {  	v6 =	vld [tilespmem:s28+$0x2900];
	[tilespmem:s26+$0x7930] =	vst v4;
	v3 =	vmax.f32 v3, $0.0e+00;
	v0 =	vadd.f32 v5, v0  }
0x4e: {  	v4 =	vld [tilespmem:s28+$0x110];
	[tilespmem:s26+$0x7940] =	vst v3;
	v2 =	vmax.f32 v2, $0.0e+00  }
0x4f: {  	v3 =	vld [tilespmem:s28+$0x2910];
	v1 =	vadd.f32 v12, v1;
	[tilespmem:s26+$0x7950] =	vst v2;
	v0 =	vmax.f32 v0, $0.0e+00  }
0x50: {  	v2 =	vld [tilespmem:s28+$0x120];
	[tilespmem:s26+$0x7960] =	vst v0;
	s26 =	smov.u32 s28  }
0x51: {  	v0 =	vld [tilespmem:s26+$0x2920];
	v1 =	vadd.f32 v7, v1  }
0x52: {  	v5 =	vadd.f32 v6, v8;
	v6 =	vld [tilespmem:s26+$0x130]  }
0x53: {  	v7 =	vld [tilespmem:s26+$0x2930];
	v1 =	vmax.f32 v1, $0.0e+00  }
0x54: {  	v9 =	vadd.f32 v3, v4;
	v3 =	vld [tilespmem:s26+$0x140];
	[tilespmem:s26+$0x7970] =	vst v1  }
0x55: {  	v1 =	vld [tilespmem:s26+$0x2940]  }
0x56: {  	v10 =	vadd.f32 v0, v2;
	v0 =	vld [tilespmem:s26+$0x150]  }
0x57: {  	v2 =	vld [tilespmem:s26+$0x2950]  }
0x58: {  	v4 =	vadd.f32 v7, v6;
	v6 =	vld [tilespmem:s26+$0x160]  }
0x59: {  	v11 =	vld [tilespmem:s26+$0x2960]  }
0x5a: {  	v12 =	vld [tilespmem:s26+$0x5100];
	v3 =	vadd.f32 v1, v3  }
0x5b: {  	v1 =	vld [tilespmem:s26+$0x5110]  }
0x5c: {  	v13 =	vld [tilespmem:s26+$0x5120];
	v2 =	vadd.f32 v2, v0  }
.Ltmp0:
0x5d: {  	v8 =	vld [tilespmem:s26+$0x5130];
	(pc) =	sbr.rel @p0 .LBB2_3-.Ltmp0, $4  }
0x5e: {  	v7 =	vld [tilespmem:s26+$0x5140];
	v0 =	vadd.f32 v11, v6  }
0x5f: {  	v11 =	vadd.f32 v12, v5;
	v6 =	vld [tilespmem:s26+$0x5150]  }
0x60: {  	s28 =	sshra.s32 s29, $0x2;
	v9 =	vadd.f32 v1, v9;
	v5 =	vld [tilespmem:s26+$0x5160]  }
0x61: {  	s29 =	sadd.s32 $0x200, s29;
	v1 =	vld [tilespmem:s28+$0x170];
	v11 =	vmax.f32 v11, $0.0e+00;
	v10 =	vadd.f32 v13, v10  }
0x62: {  	v12 =	vld [tilespmem:s28+$0x2970];
	[tilespmem:s26+$0x7900] =	vst v11;
	v9 =	vmax.f32 v9, $0.0e+00;
	v4 =	vadd.f32 v8, v4  }
0x63: {  	v11 =	vld [tilespmem:s28+$0x100];
	[tilespmem:s26+$0x7910] =	vst v9;
	v41 =	vmax.f32 v10, $0.0e+00;
	v3 =	vadd.f32 v7, v3  }
0x64: {  	v9 =	vld [tilespmem:s28+$0x5170];
	[tilespmem:s26+$0x7920] =	vst v41;
	v4 =	vmax.f32 v4, $0.0e+00;
	v2 =	vadd.f32 v6, v2  }
0x65: {  	v42 =	vld [tilespmem:s28+$0x2900];
	[tilespmem:s26+$0x7930] =	vst v4;
	v3 =	vmax.f32 v3, $0.0e+00;
	v0 =	vadd.f32 v5, v0  }
0x66: {  	v4 =	vld [tilespmem:s28+$0x110];
	[tilespmem:s26+$0x7940] =	vst v3;
	v2 =	vmax.f32 v2, $0.0e+00  }
0x67: {  	v3 =	vld [tilespmem:s28+$0x2910];
	[tilespmem:s26+$0x7950] =	vst v2;
	v0 =	vmax.f32 v0, $0.0e+00  }
0x68: {  	v2 =	vld [tilespmem:s28+$0x120];
	[tilespmem:s26+$0x7960] =	vst v0  }
0x69: {  	v0 =	vld [tilespmem:s28+$0x2920]  }
0x6a: {  	v43 =	vld [tilespmem:s28+$0x130]  }
0x6b: {  	v44 =	vld [tilespmem:s28+$0x2930]  }
0x6c: {  	v8 =	vld [tilespmem:s28+$0x140]  }
0x6d: {  	v45 =	vld [tilespmem:s28+$0x2940]  }
0x6e: {  	v46 =	vld [tilespmem:s28+$0x150]  }
0x6f: {  	v47 =	vld [tilespmem:s28+$0x2950]  }
0x70: {  	v48 =	vld [tilespmem:s28+$0x160]  }
0x71: {  	v13 =	vld [tilespmem:s28+$0x2960]  }
0x72: {  	v14 =	vld [tilespmem:s28+$0x5100]  }
0x73: {  	v15 =	vld [tilespmem:s28+$0x5110]  }
0x74: {  	v1 =	vadd.f32 v12, v1;
	v16 =	vld [tilespmem:s28+$0x5120]  }
0x75: {  	v49 =	vld [tilespmem:s28+$0x5130];
	v7 =	vadd.f32 v42, v11  }
0x76: {  	v1 =	vadd.f32 v9, v1;
	v50 =	vld [tilespmem:s28+$0x5140];
	v3 =	vadd.f32 v3, v4  }
0x77: {  	v52 =	vld [tilespmem:s28+$0x5150];
	v0 =	vadd.f32 v0, v2;
	v51 =	vadd.f32 v14, v7  }
0x78: {  	v53 =	vld [tilespmem:s28+$0x5160];
	v1 =	vmax.f32 v1, $0.0e+00;
	v5 =	vadd.f32 v44, v43;
	v3 =	vadd.f32 v15, v3  }
0x79: {  	[tilespmem:s28+$0x7970] =	vst v1;
	v1 =	vadd.f32 v45, v8;
	v0 =	vadd.f32 v16, v0;
	v2 =	vmax.f32 v51, $0.0e+00  }
0x7a: {  	v54 =	vadd.f32 v47, v46;
	v55 =	vmax.f32 v3, $0.0e+00;
	v56 =	vadd.f32 v49, v5;
	[tilespmem:s28+$0x7900] =	vst v2  }
0x7b: {  	v57 =	vadd.f32 v13, v48;
	v1 =	vadd.f32 v50, v1;
	[tilespmem:s28+$0x7910] =	vst v55;
	v0 =	vmax.f32 v0, $0.0e+00  }
0x7c: {  	v59 =	vadd.f32 v52, v54;
	v58 =	vmax.f32 v56, $0.0e+00;
	[tilespmem:s28+$0x7920] =	vst v0  }
0x7d: {  	v61 =	vadd.f32 v53, v57;
	v60 =	vmax.f32 v1, $0.0e+00;
	[tilespmem:s28+$0x7930] =	vst v58  }
0x7e: {  	s25 =	sadd.s32 $0x1, s25;
	v62 =	vmax.f32 v59, $0.0e+00;
	[tilespmem:s28+$0x7940] =	vst v60  }
0x7f: {  	p0 =	sne.s32 s25, $0x7D;
	v63 =	vmax.f32 v61, $0.0e+00;
	[tilespmem:s28+$0x7950] =	vst v62  }
.Ltmp1:
0x80: {  	[tilespmem:s28+$0x7960] =	vst v63;
	(pc) =	sbr.rel @p0 .LBB2_2-.Ltmp1, $4  }
0x81: {  	[spmem:s2] =	stream.indirect.scatter.add.f32 [tilespmem:s23], [sflag:$0x3], $0x80, s3, s17, $0xb8;
	[tilespmem:$0x1DD00] =	vst v63  }
0x82: {  	_ =	swait.ge [sflag:s15], $0x2800  }
0x83: {  	[sflag:s15] =	ssyncset.done $0x0  }
0x84: {  	[sflag:s15] =	ssyncadd.s32 $0xFFFFD800  }
0x85: {  	s24 =	sadd.s32 $0x1, s24  }
0x86: {  	p0 =	sne.s32 s24, s13  }
.Ltmp2:
0x87: {  	[bflag:$0x0] =	sbarrier.arrive $0xFFFF;
	(pc) =	sbr.rel @p0 .LBB2_1-.Ltmp2, $4  }
0x88: {  	[hbm:s12], [sflag:s11] =	dma.local [spmem:s14], $0x2780  }
0x89: {  	_ =	swait.ge [sflag:s15], $0x2780  }
0x8a: {  	[sflag:s15] =	ssyncset.done $0x0  }
0x8b: {  	[sflag:s15] =	ssyncadd.s32 $0xFFFFD880  }
0x8c: {  	_ =	sfence.sel $0x180000  }
0x8d: {  	[bflag:$0x0] =	sbarrier.arrive $0xFFFF  }
0x8e: {  	p0 =	sne.s32 s1, $0x0;
	_ =	strace $0x9000004A  }
0x8f: {  	s0 =	sadd.s32 @!p0 $0x100000, s0;
	[bflag:$0x2] =	sbarrier.arrive $0xFFFF  }
0x90: {  	[sflag:s0] =	ssyncadd.tile.s32 @!p0 $0x1;
	_ =	shalt  }
.Lfunc_end2:
_tile_overlayer_lowered:
.L_overlay_start_2:
0x91: {  	(tag) =	ssettag $0x2  }
0x92: {  	s0 =	rddreg [dreg:$0x0];
	s2 =	stileid.u32  }
0x93: {  	s1 =	rddreg [dreg:$0x1];
	p0 =	sne.s32 s2, $0x0  }
0x94: {  	s3 =	rddreg [dreg:$0x2];
	[bflag:$0x3] =	sbarrier.arrive $0xFFFF;
	s2 =	simm.s32 @!p0 $0x1C03  }
0x95: {  	[timem:s3], [sflag:s2] =	dma.local @!p0 [hbm:s0], s1  }
0x96: {  	s0 =	simm.s32 @!p0 $0x3  }
0x97: {  	_ =	swait.ge @!p0 [sflag:s0], s1  }
0x98: {  	s1 =	ssub.s32 @!p0 $0x0, s1;
	[sflag:s0] =	ssyncset.done @!p0 $0x0  }
0x99: {  	[sflag:s0] =	ssyncadd.s32 @!p0 s1  }
0x9a: {  	[bflag:$0x3] =	sbarrier.arrive $0xFFFF  }
0x9b: {  	_ =	shalt  }

</sc_bundles>
